<compile_context>
chip_gen: v7x
topology: tpu7x:2x2x1
jax: 0.10.2.dev20260603
libtpu: 0.0.44.dev20260713+nightly
codegen_flags: <defaults>
</compile_context>

<pallas_src>
import functools

import jax
import jax.numpy as jnp
from jax import lax
from jax.experimental import pallas as pl
from jax.experimental.pallas import tpu as pltpu
from jax.experimental.pallas import tpu_sc as plsc

N = 8192
D = 64
KC = 8192

BN = 256
NLANE = 128

CW = 16


BKC = 1024


def _argmin_body(flat_ref, w_ref, f2_ref, w2_ref, idx_ref, mind_ref):
    flatb = flat_ref[...]
    f2 = f2_ref[...]
    lane = lax.broadcasted_iota(jnp.int32, (BN, NLANE), 1)
    v = jnp.full((BN, NLANE), jnp.inf, jnp.float32)
    a = jnp.zeros((BN, NLANE), jnp.int32)
    for c in range(KC // BKC):
        wb = w_ref[pl.ds(c * BKC, BKC), :]
        mm = lax.dot_general(flatb, wb, (((1,), (1,)), ((), ())),
                             preferred_element_type=jnp.float32)
        for t in range(BKC // NLANE):
            s = c * (BKC // NLANE) + t
            mmc = lax.slice(mm, (0, t * NLANE), (BN, (t + 1) * NLANE))
            w2c = lax.slice(w2_ref[...], (0, s * NLANE), (1, (s + 1) * NLANE))
            d = (f2 + w2c) - 2.0 * mmc
            m = d < v
            v = jnp.where(m, d, v)
            a = jnp.where(m, lane + s * NLANE, a)
    lmin = jnp.min(v, axis=1, keepdims=True)
    cand = jnp.where(v == lmin, a, KC)
    idx_ref[...] = jnp.min(cand, axis=1, keepdims=True)
    mind_ref[...] = lmin


def _argmin_call(flat, W, f2, w2):
    return pl.pallas_call(
        _argmin_body,
        grid=(N // BN,),
        in_specs=[
            pl.BlockSpec((BN, D), lambda i: (i, 0)),
            pl.BlockSpec((KC, D), lambda i: (0, 0)),
            pl.BlockSpec((BN, 1), lambda i: (i, 0)),
            pl.BlockSpec((1, KC), lambda i: (0, 0)),
        ],
        out_specs=[
            pl.BlockSpec((BN, 1), lambda i: (i, 0)),
            pl.BlockSpec((BN, 1), lambda i: (i, 0)),
        ],
        out_shape=[
            jax.ShapeDtypeStruct((N, 1), jnp.int32),
            jax.ShapeDtypeStruct((N, 1), jnp.float32),
        ],
        compiler_params=pltpu.CompilerParams(
            dimension_semantics=("parallel",)),
    )(flat, W, f2, w2)


def _stats_body(cnt_ref, mind_ref, loss_ref, perp_ref):
    p = cnt_ref[...] * (1.0 / N)
    ent = jnp.sum(p * jnp.log(p + 1e-10))
    perp_ref[...] = jnp.exp(-ent) * jnp.ones((1, 1), jnp.float32)
    loss_ref[...] = (jnp.sum(mind_ref[...]) * (1.25 / (N * D))
                     * jnp.ones((1, 1), jnp.float32))


def _stats_call(cnt2, mind2):
    return pl.pallas_call(
        _stats_body,
        grid=(1,),
        in_specs=[
            pl.BlockSpec((KC // 128, 128), lambda b: (0, 0)),
            pl.BlockSpec((N // 128, 128), lambda b: (0, 0)),
        ],
        out_specs=[
            pl.BlockSpec((1, 1), lambda b: (0, 0)),
            pl.BlockSpec((1, 1), lambda b: (0, 0)),
        ],
        out_shape=[
            jax.ShapeDtypeStruct((1, 1), jnp.float32),
            jax.ShapeDtypeStruct((1, 1), jnp.float32),
        ],
    )(cnt2, mind2)


@functools.lru_cache(maxsize=1)
def _make_sc_gather():
    info = plsc.get_sparse_core_info()
    nc, ns = info.num_cores, info.num_subcores
    nw = nc * ns
    bpw = N // nw
    chunks = bpw // 128
    kpw = KC // ns
    mesh = plsc.VectorSubcoreMesh(core_axis_name="c", subcore_axis_name="s")

    @functools.partial(
        pl.kernel, mesh=mesh,
        out_type=[
            jax.ShapeDtypeStruct((N, D), jnp.float32),
            jax.ShapeDtypeStruct((nc, KC), jnp.float32),
        ],
        scratch_types=[
            pltpu.VMEM((chunks, 128), jnp.int32),
            pltpu.VMEM((bpw, D), jnp.float32),
            pltpu.VMEM((128, CW), jnp.float32),
            pltpu.VMEM((kpw, CW), jnp.float32),
            pltpu.VMEM((kpw,), jnp.float32),
            pltpu.VMEM_SHARED((KC, CW), jnp.float32),
            pltpu.SemaphoreType.DMA,
        ],
        compiler_params=pltpu.CompilerParams(use_tc_tiling_on_sc=False,
                                             needs_layout_passes=False),
    )
    def gather_kernel(table_hbm, idx_hbm, zeros_hbm, ones_hbm,
                      out_hbm, cnt_hbm, idx_v, rows_v, ones_v, craw_v, cvec_v,
                      cshared, sem):
        cid = lax.axis_index("c")
        sid = lax.axis_index("s")
        wid = sid * nc + cid
        pltpu.sync_copy(idx_hbm.at[pl.ds(wid * chunks, chunks)], idx_v)
        cps = [
            pltpu.async_copy(table_hbm.at[idx_v.at[c]],
                             rows_v.at[pl.ds(c * 128, 128)], sem)
            for c in range(chunks)
        ]
        pltpu.sync_copy(ones_hbm, ones_v)
        pltpu.sync_copy(zeros_hbm.at[pl.ds(sid * kpw, kpw)],
                        cshared.at[pl.ds(sid * kpw, kpw)])
        plsc.subcore_barrier()
        for c in range(chunks):
            pltpu.sync_copy(ones_v, cshared.at[idx_v.at[c]], add=True)
        plsc.subcore_barrier()
        pltpu.sync_copy(cshared.at[pl.ds(sid * kpw, kpw)], craw_v)
        row16 = lax.iota(jnp.int32, 16)
        col16 = jnp.zeros((16,), jnp.int32)
        for g in range(kpw // 16):
            vals = plsc.load_gather(craw_v, [row16 + g * 16, col16])
            cvec_v[pl.ds(g * 16, 16)] = vals
        pltpu.sync_copy(cvec_v, cnt_hbm.at[cid, pl.ds(sid * kpw, kpw)])
        for cp in cps:
            cp.wait()
        pltpu.sync_copy(rows_v, out_hbm.at[pl.ds(wid * bpw, bpw)])

    return gather_kernel


def kernel(z, W):
    B, C, H, Wd = z.shape
    zt = jnp.transpose(z, (0, 2, 3, 1))
    flat = zt.reshape(N, D)
    f2 = jnp.sum(flat ** 2, axis=1, keepdims=True)
    w2 = jnp.sum(W ** 2, axis=1).reshape(1, KC)

    idx2d, mind = _argmin_call(flat, W, f2, w2)

    idx_rows = idx2d.reshape(N // 128, 128)
    zeros = jnp.zeros((KC, CW), jnp.float32)
    ones = jnp.ones((128, CW), jnp.float32)
    z_q, cnt = _make_sc_gather()(W, idx_rows, zeros, ones)

    cnt2 = (cnt[0] + cnt[1]).reshape(KC // 128, 128)
    mind2 = mind.reshape(N // 128, 128)
    loss2d, perp2d = _stats_call(cnt2, mind2)

    out = jnp.transpose(z_q.reshape(B, H, Wd, C), (0, 3, 1, 2))
    loss = loss2d.reshape(())
    perplexity = perp2d.reshape(())
    min_encoding_indices = idx2d.reshape(B, H, Wd)
    return (out, loss, min_encoding_indices, perplexity)

# --- scband reference (transcript-rebuilt; emitter-appended) ---
"""Pipeline reference for scband-stquantize-3204045602890 (READ-ONLY COPY).

The authoritative reference and input builder live on the scoring server;
editing this copy changes nothing except your own understanding.
"""

import jax, jax.numpy as jnp
import numpy as np

K = 8192
D = 64

def setup_inputs(seed: int = 0) -> dict:
    key = jax.random.key(seed)
    k1, k2 = jax.random.split(key)
    z = jax.random.normal(k1, (8, 64, 32, 32), dtype=jnp.float32)
    # nn.init.kaiming_uniform_ default: a=0 -> gain=sqrt(2), bound = gain*sqrt(3/fan_in), fan_in = D
    bound = float(np.sqrt(6.0 / D))
    W = jax.random.uniform(k2, (K, D), minval=-bound, maxval=bound, dtype=jnp.float32)
    return {"z": z, "W": W}

def reference(z, W):
    B, C, H, Wd = z.shape
    zt = jnp.transpose(z, (0, 2, 3, 1))  # b c h w -> b h w c
    flat = zt.reshape(-1, C)             # (b h w) c
    dist = (jnp.sum(flat ** 2, axis=1, keepdims=True)
            + jnp.sum(W ** 2, axis=1)
            - 2.0 * flat @ W.T)
    idx = jnp.argmin(dist, axis=1)
    enc = jax.nn.one_hot(idx, W.shape[0], dtype=zt.dtype)
    avg_use = jnp.mean(enc, axis=0)
    perplexity = jnp.exp(-jnp.sum(avg_use * jnp.log(avg_use + 1e-10)))
    z_q = jnp.take(W, idx, axis=0).reshape(zt.shape)
    sg = jax.lax.stop_gradient
    commitment_cost = 0.25
    loss = commitment_cost * jnp.mean((sg(z_q) - zt) ** 2) + jnp.mean((z_q - sg(zt)) ** 2)
    z_q_st = zt + sg(z_q - zt)  # straight-through
    out = jnp.transpose(z_q_st, (0, 3, 1, 2))  # b h w c -> b c h w
    min_encoding_indices = idx.reshape(B, H, Wd)
    return (out, loss, min_encoding_indices, perplexity)

if __name__ == "__main__":
    import jax
    _d = setup_inputs()
    print(jax.jit(kernel)(*tuple(_d.values())))

</pallas_src>

<mosaic_0001>
#map = affine_map<(d0, d1) -> (0, 0)>
module attributes {stable_mosaic.version = 14 : i64} {
  func.func @gather_kernel(%arg0: i32, %arg1: i32, %arg2: memref<8192x64xf32, #tpu.memory_space<hbm>>, %arg3: memref<64x128xi32, #tpu.memory_space<hbm>>, %arg4: memref<8192x16xf32, #tpu.memory_space<hbm>>, %arg5: memref<128x16xf32, #tpu.memory_space<hbm>>, %arg6: memref<8192x64xf32, #tpu.memory_space<hbm>>, %arg7: memref<2x8192xf32, #tpu.memory_space<hbm>>, %arg8: memref<2x128xi32, #tpu.memory_space<vmem>>, %arg9: memref<256x64xf32, #tpu.memory_space<vmem>>, %arg10: memref<128x16xf32, #tpu.memory_space<vmem>>, %arg11: memref<512x16xf32, #tpu.memory_space<vmem>>, %arg12: memref<512xf32, #tpu.memory_space<vmem>>, %arg13: memref<8192x16xf32, #tpu.memory_space<vmem_shared>>, %arg14: memref<!tpu.dma_semaphore, #tpu.memory_space<semaphore_mem>>) attributes {dimension_semantics = [#tpu.dimension_semantics<core_parallel>, #tpu.dimension_semantics<subcore_parallel>], iteration_bounds = array<i64: 2, 16>, scalar_prefetch = 0 : i64, scratch_operands = 7 : i64, tpu.core_type = #tpu.core_type<sc_vector_subcore>, window_params = [{transform_indices = #map}, {transform_indices = #map}, {transform_indices = #map}, {transform_indices = #map}, {transform_indices = #map}, {transform_indices = #map}]} {
    %mul3A = arith.constant 2 : i32
    %mul3A_0 = arith.muli %arg1, %mul3A : i32
    %add3A = arith.addi %mul3A_0, %arg0 : i32
    %mul3A_1 = arith.constant 2 : i32
    %mul3A_2 = arith.muli %add3A, %mul3A_1 : i32
    "tpu.region"() ({
      %run_scoped3A_244 = tpu.sem_alloc : memref<!tpu.dma_semaphore, #tpu.memory_space<semaphore_mem>>
      %dma_start3A_245 = arith.constant 0 : i32
      %dma_start3A_246 = tpu.memref_slice %arg3[%mul3A_2, %dma_start3A_245] : memref<64x128xi32, #tpu.memory_space<hbm>> -> memref<2x128xi32, #tpu.memory_space<hbm>>
      %dma_start3A_247 = arith.constant 0 : i32
      %dma_start3A_248 = tpu.memref_slice %arg3[%mul3A_2, %dma_start3A_247] : memref<64x128xi32, #tpu.memory_space<hbm>> -> memref<2x128xi32, #tpu.memory_space<hbm>>
      tpu.enqueue_dma source(%dma_start3A_248 : memref<2x128xi32, #tpu.memory_space<hbm>>) target(%arg8 : memref<2x128xi32, #tpu.memory_space<vmem>>) target_semaphore(%run_scoped3A_244 : memref<!tpu.dma_semaphore, #tpu.memory_space<semaphore_mem>>)
      %dma_wait3A_249 = arith.constant 0 : i32
      %dma_wait3A_250 = tpu.memref_slice %arg3[%mul3A_2, %dma_wait3A_249] : memref<64x128xi32, #tpu.memory_space<hbm>> -> memref<2x128xi32, #tpu.memory_space<hbm>>
      %dma_wait3A_251 = arith.constant 0 : i32
      %dma_wait3A_252 = tpu.memref_slice %arg3[%mul3A_2, %dma_wait3A_251] : memref<64x128xi32, #tpu.memory_space<hbm>> -> memref<2x128xi32, #tpu.memory_space<hbm>>
      tpu.wait_dma2 semaphore(%run_scoped3A_244 : memref<!tpu.dma_semaphore, #tpu.memory_space<semaphore_mem>>) src(%dma_wait3A_252 : memref<2x128xi32, #tpu.memory_space<hbm>>) dst(%arg8 : memref<2x128xi32, #tpu.memory_space<vmem>>)
      tpu.yield
    }) : () -> ()
    %dma_start3A = arith.constant 0 : i32
    %dma_start3A_3 = arith.constant 0 : i32
    %dma_start3A_4 = arith.constant 0 : i32
    %dma_start3A_5 = tpu.memref_slice %arg9[%dma_start3A_3, %dma_start3A_4] : memref<256x64xf32, #tpu.memory_space<vmem>> -> memref<128x64xf32, #tpu.memory_space<vmem>>
    %dma_start3A_6 = arith.constant 0 : i32
    %dma_start3A_7 = tpu.memref_slice %arg8[%dma_start3A, %dma_start3A_6] : memref<2x128xi32, #tpu.memory_space<vmem>> -> memref<1x128xi32, #tpu.memory_space<vmem>>
    %dma_start3A_8 = tpu.memref_squeeze %dma_start3A_7 : memref<1x128xi32, #tpu.memory_space<vmem>> -> memref<128xi32, #tpu.memory_space<vmem>>
    %dma_start3A_9 = arith.constant 0 : i32
    %dma_start3A_10 = arith.constant 0 : i32
    %dma_start3A_11 = tpu.memref_slice %arg2[%dma_start3A_9, %dma_start3A_10] : memref<8192x64xf32, #tpu.memory_space<hbm>> -> memref<8192x64xf32, #tpu.memory_space<hbm>>
    tpu.enqueue_indirect_dma source(%dma_start3A_11 : memref<8192x64xf32, #tpu.memory_space<hbm>>) target(%dma_start3A_5 : memref<128x64xf32, #tpu.memory_space<vmem>>) offsets(%dma_start3A_8 : memref<128xi32, #tpu.memory_space<vmem>>) semaphore(%arg14 : memref<!tpu.dma_semaphore, #tpu.memory_space<semaphore_mem>>)
    %dma_start3A_12 = arith.constant 1 : i32
    %dma_start3A_13 = arith.constant 128 : i32
    %dma_start3A_14 = arith.constant 0 : i32
    %dma_start3A_15 = tpu.memref_slice %arg9[%dma_start3A_13, %dma_start3A_14] : memref<256x64xf32, #tpu.memory_space<vmem>> -> memref<128x64xf32, #tpu.memory_space<vmem>>
    %dma_start3A_16 = arith.constant 0 : i32
    %dma_start3A_17 = tpu.memref_slice %arg8[%dma_start3A_12, %dma_start3A_16] : memref<2x128xi32, #tpu.memory_space<vmem>> -> memref<1x128xi32, #tpu.memory_space<vmem>>
    %dma_start3A_18 = tpu.memref_squeeze %dma_start3A_17 : memref<1x128xi32, #tpu.memory_space<vmem>> -> memref<128xi32, #tpu.memory_space<vmem>>
    %dma_start3A_19 = arith.constant 0 : i32
    %dma_start3A_20 = arith.constant 0 : i32
    %dma_start3A_21 = tpu.memref_slice %arg2[%dma_start3A_19, %dma_start3A_20] : memref<8192x64xf32, #tpu.memory_space<hbm>> -> memref<8192x64xf32, #tpu.memory_space<hbm>>
    tpu.enqueue_indirect_dma source(%dma_start3A_21 : memref<8192x64xf32, #tpu.memory_space<hbm>>) target(%dma_start3A_15 : memref<128x64xf32, #tpu.memory_space<vmem>>) offsets(%dma_start3A_18 : memref<128xi32, #tpu.memory_space<vmem>>) semaphore(%arg14 : memref<!tpu.dma_semaphore, #tpu.memory_space<semaphore_mem>>)
    "tpu.region"() ({
      %run_scoped3A_244 = tpu.sem_alloc : memref<!tpu.dma_semaphore, #tpu.memory_space<semaphore_mem>>
      tpu.enqueue_dma source(%arg5 : memref<128x16xf32, #tpu.memory_space<hbm>>) target(%arg10 : memref<128x16xf32, #tpu.memory_space<vmem>>) target_semaphore(%run_scoped3A_244 : memref<!tpu.dma_semaphore, #tpu.memory_space<semaphore_mem>>)
      tpu.wait_dma2 semaphore(%run_scoped3A_244 : memref<!tpu.dma_semaphore, #tpu.memory_space<semaphore_mem>>) src(%arg5 : memref<128x16xf32, #tpu.memory_space<hbm>>) dst(%arg10 : memref<128x16xf32, #tpu.memory_space<vmem>>)
      tpu.yield
    }) : () -> ()
    %mul3A_22 = arith.constant 512 : i32
    %mul3A_23 = arith.muli %arg1, %mul3A_22 : i32
    %mul3A_24 = arith.constant 512 : i32
    %mul3A_25 = arith.muli %arg1, %mul3A_24 : i32
    "tpu.region"() ({
      %run_scoped3A_244 = tpu.sem_alloc : memref<!tpu.dma_semaphore, #tpu.memory_space<semaphore_mem>>
      %dma_start3A_245 = arith.constant 0 : i32
      %dma_start3A_246 = tpu.memref_slice %arg13[%mul3A_25, %dma_start3A_245] : memref<8192x16xf32, #tpu.memory_space<vmem_shared>> -> memref<512x16xf32, #tpu.memory_space<vmem_shared>>
      %dma_start3A_247 = arith.constant 0 : i32
      %dma_start3A_248 = tpu.memref_slice %arg4[%mul3A_23, %dma_start3A_247] : memref<8192x16xf32, #tpu.memory_space<hbm>> -> memref<512x16xf32, #tpu.memory_space<hbm>>
      tpu.enqueue_dma source(%dma_start3A_248 : memref<512x16xf32, #tpu.memory_space<hbm>>) target(%dma_start3A_246 : memref<512x16xf32, #tpu.memory_space<vmem_shared>>) target_semaphore(%run_scoped3A_244 : memref<!tpu.dma_semaphore, #tpu.memory_space<semaphore_mem>>)
      %dma_wait3A_249 = arith.constant 0 : i32
      %dma_wait3A_250 = tpu.memref_slice %arg13[%mul3A_25, %dma_wait3A_249] : memref<8192x16xf32, #tpu.memory_space<vmem_shared>> -> memref<512x16xf32, #tpu.memory_space<vmem_shared>>
      %dma_wait3A_251 = arith.constant 0 : i32
      %dma_wait3A_252 = tpu.memref_slice %arg4[%mul3A_23, %dma_wait3A_251] : memref<8192x16xf32, #tpu.memory_space<hbm>> -> memref<512x16xf32, #tpu.memory_space<hbm>>
      tpu.wait_dma2 semaphore(%run_scoped3A_244 : memref<!tpu.dma_semaphore, #tpu.memory_space<semaphore_mem>>) src(%dma_wait3A_252 : memref<512x16xf32, #tpu.memory_space<hbm>>) dst(%dma_wait3A_250 : memref<512x16xf32, #tpu.memory_space<vmem_shared>>)
      tpu.yield
    }) : () -> ()
    %barrier3A = arith.constant 0 : index
    tpu.barrier barrier_id(%barrier3A)
    %run_scoped3A = arith.constant 0 : i32
    "tpu.region"() ({
      %run_scoped3A_244 = tpu.sem_alloc : memref<!tpu.dma_semaphore, #tpu.memory_space<semaphore_mem>>
      %dma_start3A_245 = arith.constant 0 : i32
      %dma_start3A_246 = tpu.memref_slice %arg8[%run_scoped3A, %dma_start3A_245] : memref<2x128xi32, #tpu.memory_space<vmem>> -> memref<1x128xi32, #tpu.memory_space<vmem>>
      %dma_start3A_247 = tpu.memref_squeeze %dma_start3A_246 : memref<1x128xi32, #tpu.memory_space<vmem>> -> memref<128xi32, #tpu.memory_space<vmem>>
      %dma_start3A_248 = arith.constant 0 : i32
      %dma_start3A_249 = arith.constant 0 : i32
      %dma_start3A_250 = tpu.memref_slice %arg13[%dma_start3A_248, %dma_start3A_249] : memref<8192x16xf32, #tpu.memory_space<vmem_shared>> -> memref<8192x16xf32, #tpu.memory_space<vmem_shared>>
      tpu.enqueue_indirect_dma source(%arg10 : memref<128x16xf32, #tpu.memory_space<vmem>>) target(%dma_start3A_250 : memref<8192x16xf32, #tpu.memory_space<vmem_shared>>) offsets(%dma_start3A_247 : memref<128xi32, #tpu.memory_space<vmem>>) semaphore(%run_scoped3A_244 : memref<!tpu.dma_semaphore, #tpu.memory_space<semaphore_mem>>) {add = true}
      %dma_wait3A_251 = arith.constant 0 : i32
      %dma_wait3A_252 = tpu.memref_slice %arg8[%run_scoped3A, %dma_wait3A_251] : memref<2x128xi32, #tpu.memory_space<vmem>> -> memref<1x128xi32, #tpu.memory_space<vmem>>
      %dma_wait3A_253 = tpu.memref_squeeze %dma_wait3A_252 : memref<1x128xi32, #tpu.memory_space<vmem>> -> memref<128xi32, #tpu.memory_space<vmem>>
      %dma_wait3A_254 = arith.constant 0 : i32
      %dma_wait3A_255 = arith.constant 0 : i32
      %dma_wait3A_256 = tpu.memref_slice %arg13[%dma_wait3A_254, %dma_wait3A_255] : memref<8192x16xf32, #tpu.memory_space<vmem_shared>> -> memref<8192x16xf32, #tpu.memory_space<vmem_shared>>
      tpu.wait_indirect_dma semaphore(%run_scoped3A_244 : memref<!tpu.dma_semaphore, #tpu.memory_space<semaphore_mem>>) src(%arg10 : memref<128x16xf32, #tpu.memory_space<vmem>>) dst(%dma_wait3A_256 : memref<8192x16xf32, #tpu.memory_space<vmem_shared>>)
      tpu.yield
    }) : () -> ()
    %run_scoped3A_26 = arith.constant 1 : i32
    "tpu.region"() ({
      %run_scoped3A_244 = tpu.sem_alloc : memref<!tpu.dma_semaphore, #tpu.memory_space<semaphore_mem>>
      %dma_start3A_245 = arith.constant 0 : i32
      %dma_start3A_246 = tpu.memref_slice %arg8[%run_scoped3A_26, %dma_start3A_245] : memref<2x128xi32, #tpu.memory_space<vmem>> -> memref<1x128xi32, #tpu.memory_space<vmem>>
      %dma_start3A_247 = tpu.memref_squeeze %dma_start3A_246 : memref<1x128xi32, #tpu.memory_space<vmem>> -> memref<128xi32, #tpu.memory_space<vmem>>
      %dma_start3A_248 = arith.constant 0 : i32
      %dma_start3A_249 = arith.constant 0 : i32
      %dma_start3A_250 = tpu.memref_slice %arg13[%dma_start3A_248, %dma_start3A_249] : memref<8192x16xf32, #tpu.memory_space<vmem_shared>> -> memref<8192x16xf32, #tpu.memory_space<vmem_shared>>
      tpu.enqueue_indirect_dma source(%arg10 : memref<128x16xf32, #tpu.memory_space<vmem>>) target(%dma_start3A_250 : memref<8192x16xf32, #tpu.memory_space<vmem_shared>>) offsets(%dma_start3A_247 : memref<128xi32, #tpu.memory_space<vmem>>) semaphore(%run_scoped3A_244 : memref<!tpu.dma_semaphore, #tpu.memory_space<semaphore_mem>>) {add = true}
      %dma_wait3A_251 = arith.constant 0 : i32
      %dma_wait3A_252 = tpu.memref_slice %arg8[%run_scoped3A_26, %dma_wait3A_251] : memref<2x128xi32, #tpu.memory_space<vmem>> -> memref<1x128xi32, #tpu.memory_space<vmem>>
      %dma_wait3A_253 = tpu.memref_squeeze %dma_wait3A_252 : memref<1x128xi32, #tpu.memory_space<vmem>> -> memref<128xi32, #tpu.memory_space<vmem>>
      %dma_wait3A_254 = arith.constant 0 : i32
      %dma_wait3A_255 = arith.constant 0 : i32
      %dma_wait3A_256 = tpu.memref_slice %arg13[%dma_wait3A_254, %dma_wait3A_255] : memref<8192x16xf32, #tpu.memory_space<vmem_shared>> -> memref<8192x16xf32, #tpu.memory_space<vmem_shared>>
      tpu.wait_indirect_dma semaphore(%run_scoped3A_244 : memref<!tpu.dma_semaphore, #tpu.memory_space<semaphore_mem>>) src(%arg10 : memref<128x16xf32, #tpu.memory_space<vmem>>) dst(%dma_wait3A_256 : memref<8192x16xf32, #tpu.memory_space<vmem_shared>>)
      tpu.yield
    }) : () -> ()
    %barrier3A_27 = arith.constant 0 : index
    tpu.barrier barrier_id(%barrier3A_27)
    %mul3A_28 = arith.constant 512 : i32
    %mul3A_29 = arith.muli %arg1, %mul3A_28 : i32
    "tpu.region"() ({
      %run_scoped3A_244 = tpu.sem_alloc : memref<!tpu.dma_semaphore, #tpu.memory_space<semaphore_mem>>
      %dma_start3A_245 = arith.constant 0 : i32
      %dma_start3A_246 = tpu.memref_slice %arg13[%mul3A_29, %dma_start3A_245] : memref<8192x16xf32, #tpu.memory_space<vmem_shared>> -> memref<512x16xf32, #tpu.memory_space<vmem_shared>>
      %dma_start3A_247 = arith.constant 0 : i32
      %dma_start3A_248 = tpu.memref_slice %arg13[%mul3A_29, %dma_start3A_247] : memref<8192x16xf32, #tpu.memory_space<vmem_shared>> -> memref<512x16xf32, #tpu.memory_space<vmem_shared>>
      tpu.enqueue_dma source(%dma_start3A_248 : memref<512x16xf32, #tpu.memory_space<vmem_shared>>) target(%arg11 : memref<512x16xf32, #tpu.memory_space<vmem>>) target_semaphore(%run_scoped3A_244 : memref<!tpu.dma_semaphore, #tpu.memory_space<semaphore_mem>>)
      %dma_wait3A_249 = arith.constant 0 : i32
      %dma_wait3A_250 = tpu.memref_slice %arg13[%mul3A_29, %dma_wait3A_249] : memref<8192x16xf32, #tpu.memory_space<vmem_shared>> -> memref<512x16xf32, #tpu.memory_space<vmem_shared>>
      %dma_wait3A_251 = arith.constant 0 : i32
      %dma_wait3A_252 = tpu.memref_slice %arg13[%mul3A_29, %dma_wait3A_251] : memref<8192x16xf32, #tpu.memory_space<vmem_shared>> -> memref<512x16xf32, #tpu.memory_space<vmem_shared>>
      tpu.wait_dma2 semaphore(%run_scoped3A_244 : memref<!tpu.dma_semaphore, #tpu.memory_space<semaphore_mem>>) src(%dma_wait3A_252 : memref<512x16xf32, #tpu.memory_space<vmem_shared>>) dst(%arg11 : memref<512x16xf32, #tpu.memory_space<vmem>>)
      tpu.yield
    }) : () -> ()
    %iota3A = tpu.iota {dimensions = array<i32: 0>} : vector<16xi32>
    %broadcast_in_dim3A = arith.constant 0 : i32
    %broadcast_in_dim3A_30 = vector.broadcast %broadcast_in_dim3A : i32 to vector<16xi32>
    %add3A_31 = arith.constant 0 : i32
    %add3A_32 = vector.broadcast %add3A_31 : i32 to vector<16xi32>
    %add3A_33 = arith.addi %iota3A, %add3A_32 : vector<16xi32>
    %gather3A = tpu.vector_load_idx %arg11[%add3A_33, %broadcast_in_dim3A_30] : memref<512x16xf32, #tpu.memory_space<vmem>>[vector<16xi32>, vector<16xi32>], vector<16xf32>,
    %swap3A = arith.constant 0 : index
    %swap3A_34 = tpu.vector_load %arg12[%swap3A] {strides = array<i32>} : memref<512xf32, #tpu.memory_space<vmem>>, vector<16xf32>,
    tpu.vector_store %arg12[%swap3A], %gather3A {strides = array<i32>} : memref<512xf32, #tpu.memory_space<vmem>>, vector<16xf32>,
    %add3A_35 = arith.constant 16 : i32
    %add3A_36 = vector.broadcast %add3A_35 : i32 to vector<16xi32>
    %add3A_37 = arith.addi %iota3A, %add3A_36 : vector<16xi32>
    %gather3A_38 = tpu.vector_load_idx %arg11[%add3A_37, %broadcast_in_dim3A_30] : memref<512x16xf32, #tpu.memory_space<vmem>>[vector<16xi32>, vector<16xi32>], vector<16xf32>,
    %swap3A_39 = arith.constant 16 : index
    %swap3A_40 = tpu.vector_load %arg12[%swap3A_39] {strides = array<i32>} : memref<512xf32, #tpu.memory_space<vmem>>, vector<16xf32>,
    tpu.vector_store %arg12[%swap3A_39], %gather3A_38 {strides = array<i32>} : memref<512xf32, #tpu.memory_space<vmem>>, vector<16xf32>,
    %add3A_41 = arith.constant 32 : i32
    %add3A_42 = vector.broadcast %add3A_41 : i32 to vector<16xi32>
    %add3A_43 = arith.addi %iota3A, %add3A_42 : vector<16xi32>
    %gather3A_44 = tpu.vector_load_idx %arg11[%add3A_43, %broadcast_in_dim3A_30] : memref<512x16xf32, #tpu.memory_space<vmem>>[vector<16xi32>, vector<16xi32>], vector<16xf32>,
    %swap3A_45 = arith.constant 32 : index
    %swap3A_46 = tpu.vector_load %arg12[%swap3A_45] {strides = array<i32>} : memref<512xf32, #tpu.memory_space<vmem>>, vector<16xf32>,
    tpu.vector_store %arg12[%swap3A_45], %gather3A_44 {strides = array<i32>} : memref<512xf32, #tpu.memory_space<vmem>>, vector<16xf32>,
    %add3A_47 = arith.constant 48 : i32
    %add3A_48 = vector.broadcast %add3A_47 : i32 to vector<16xi32>
    %add3A_49 = arith.addi %iota3A, %add3A_48 : vector<16xi32>
    %gather3A_50 = tpu.vector_load_idx %arg11[%add3A_49, %broadcast_in_dim3A_30] : memref<512x16xf32, #tpu.memory_space<vmem>>[vector<16xi32>, vector<16xi32>], vector<16xf32>,
    %swap3A_51 = arith.constant 48 : index
    %swap3A_52 = tpu.vector_load %arg12[%swap3A_51] {strides = array<i32>} : memref<512xf32, #tpu.memory_space<vmem>>, vector<16xf32>,
    tpu.vector_store %arg12[%swap3A_51], %gather3A_50 {strides = array<i32>} : memref<512xf32, #tpu.memory_space<vmem>>, vector<16xf32>,
    %add3A_53 = arith.constant 64 : i32
    %add3A_54 = vector.broadcast %add3A_53 : i32 to vector<16xi32>
    %add3A_55 = arith.addi %iota3A, %add3A_54 : vector<16xi32>
    %gather3A_56 = tpu.vector_load_idx %arg11[%add3A_55, %broadcast_in_dim3A_30] : memref<512x16xf32, #tpu.memory_space<vmem>>[vector<16xi32>, vector<16xi32>], vector<16xf32>,
    %swap3A_57 = arith.constant 64 : index
    %swap3A_58 = tpu.vector_load %arg12[%swap3A_57] {strides = array<i32>} : memref<512xf32, #tpu.memory_space<vmem>>, vector<16xf32>,
    tpu.vector_store %arg12[%swap3A_57], %gather3A_56 {strides = array<i32>} : memref<512xf32, #tpu.memory_space<vmem>>, vector<16xf32>,
    %add3A_59 = arith.constant 80 : i32
    %add3A_60 = vector.broadcast %add3A_59 : i32 to vector<16xi32>
    %add3A_61 = arith.addi %iota3A, %add3A_60 : vector<16xi32>
    %gather3A_62 = tpu.vector_load_idx %arg11[%add3A_61, %broadcast_in_dim3A_30] : memref<512x16xf32, #tpu.memory_space<vmem>>[vector<16xi32>, vector<16xi32>], vector<16xf32>,
    %swap3A_63 = arith.constant 80 : index
    %swap3A_64 = tpu.vector_load %arg12[%swap3A_63] {strides = array<i32>} : memref<512xf32, #tpu.memory_space<vmem>>, vector<16xf32>,
    tpu.vector_store %arg12[%swap3A_63], %gather3A_62 {strides = array<i32>} : memref<512xf32, #tpu.memory_space<vmem>>, vector<16xf32>,
    %add3A_65 = arith.constant 96 : i32
    %add3A_66 = vector.broadcast %add3A_65 : i32 to vector<16xi32>
    %add3A_67 = arith.addi %iota3A, %add3A_66 : vector<16xi32>
    %gather3A_68 = tpu.vector_load_idx %arg11[%add3A_67, %broadcast_in_dim3A_30] : memref<512x16xf32, #tpu.memory_space<vmem>>[vector<16xi32>, vector<16xi32>], vector<16xf32>,
    %swap3A_69 = arith.constant 96 : index
    %swap3A_70 = tpu.vector_load %arg12[%swap3A_69] {strides = array<i32>} : memref<512xf32, #tpu.memory_space<vmem>>, vector<16xf32>,
    tpu.vector_store %arg12[%swap3A_69], %gather3A_68 {strides = array<i32>} : memref<512xf32, #tpu.memory_space<vmem>>, vector<16xf32>,
    %add3A_71 = arith.constant 112 : i32
    %add3A_72 = vector.broadcast %add3A_71 : i32 to vector<16xi32>
    %add3A_73 = arith.addi %iota3A, %add3A_72 : vector<16xi32>
    %gather3A_74 = tpu.vector_load_idx %arg11[%add3A_73, %broadcast_in_dim3A_30] : memref<512x16xf32, #tpu.memory_space<vmem>>[vector<16xi32>, vector<16xi32>], vector<16xf32>,
    %swap3A_75 = arith.constant 112 : index
    %swap3A_76 = tpu.vector_load %arg12[%swap3A_75] {strides = array<i32>} : memref<512xf32, #tpu.memory_space<vmem>>, vector<16xf32>,
    tpu.vector_store %arg12[%swap3A_75], %gather3A_74 {strides = array<i32>} : memref<512xf32, #tpu.memory_space<vmem>>, vector<16xf32>,
    %add3A_77 = arith.constant 128 : i32
    %add3A_78 = vector.broadcast %add3A_77 : i32 to vector<16xi32>
    %add3A_79 = arith.addi %iota3A, %add3A_78 : vector<16xi32>
    %gather3A_80 = tpu.vector_load_idx %arg11[%add3A_79, %broadcast_in_dim3A_30] : memref<512x16xf32, #tpu.memory_space<vmem>>[vector<16xi32>, vector<16xi32>], vector<16xf32>,
    %swap3A_81 = arith.constant 128 : index
    %swap3A_82 = tpu.vector_load %arg12[%swap3A_81] {strides = array<i32>} : memref<512xf32, #tpu.memory_space<vmem>>, vector<16xf32>,
    tpu.vector_store %arg12[%swap3A_81], %gather3A_80 {strides = array<i32>} : memref<512xf32, #tpu.memory_space<vmem>>, vector<16xf32>,
    %add3A_83 = arith.constant 144 : i32
    %add3A_84 = vector.broadcast %add3A_83 : i32 to vector<16xi32>
    %add3A_85 = arith.addi %iota3A, %add3A_84 : vector<16xi32>
    %gather3A_86 = tpu.vector_load_idx %arg11[%add3A_85, %broadcast_in_dim3A_30] : memref<512x16xf32, #tpu.memory_space<vmem>>[vector<16xi32>, vector<16xi32>], vector<16xf32>,
    %swap3A_87 = arith.constant 144 : index
    %swap3A_88 = tpu.vector_load %arg12[%swap3A_87] {strides = array<i32>} : memref<512xf32, #tpu.memory_space<vmem>>, vector<16xf32>,
    tpu.vector_store %arg12[%swap3A_87], %gather3A_86 {strides = array<i32>} : memref<512xf32, #tpu.memory_space<vmem>>, vector<16xf32>,
    %add3A_89 = arith.constant 160 : i32
    %add3A_90 = vector.broadcast %add3A_89 : i32 to vector<16xi32>
    %add3A_91 = arith.addi %iota3A, %add3A_90 : vector<16xi32>
    %gather3A_92 = tpu.vector_load_idx %arg11[%add3A_91, %broadcast_in_dim3A_30] : memref<512x16xf32, #tpu.memory_space<vmem>>[vector<16xi32>, vector<16xi32>], vector<16xf32>,
    %swap3A_93 = arith.constant 160 : index
    %swap3A_94 = tpu.vector_load %arg12[%swap3A_93] {strides = array<i32>} : memref<512xf32, #tpu.memory_space<vmem>>, vector<16xf32>,
    tpu.vector_store %arg12[%swap3A_93], %gather3A_92 {strides = array<i32>} : memref<512xf32, #tpu.memory_space<vmem>>, vector<16xf32>,
    %add3A_95 = arith.constant 176 : i32
    %add3A_96 = vector.broadcast %add3A_95 : i32 to vector<16xi32>
    %add3A_97 = arith.addi %iota3A, %add3A_96 : vector<16xi32>
    %gather3A_98 = tpu.vector_load_idx %arg11[%add3A_97, %broadcast_in_dim3A_30] : memref<512x16xf32, #tpu.memory_space<vmem>>[vector<16xi32>, vector<16xi32>], vector<16xf32>,
    %swap3A_99 = arith.constant 176 : index
    %swap3A_100 = tpu.vector_load %arg12[%swap3A_99] {strides = array<i32>} : memref<512xf32, #tpu.memory_space<vmem>>, vector<16xf32>,
    tpu.vector_store %arg12[%swap3A_99], %gather3A_98 {strides = array<i32>} : memref<512xf32, #tpu.memory_space<vmem>>, vector<16xf32>,
    %add3A_101 = arith.constant 192 : i32
    %add3A_102 = vector.broadcast %add3A_101 : i32 to vector<16xi32>
    %add3A_103 = arith.addi %iota3A, %add3A_102 : vector<16xi32>
    %gather3A_104 = tpu.vector_load_idx %arg11[%add3A_103, %broadcast_in_dim3A_30] : memref<512x16xf32, #tpu.memory_space<vmem>>[vector<16xi32>, vector<16xi32>], vector<16xf32>,
    %swap3A_105 = arith.constant 192 : index
    %swap3A_106 = tpu.vector_load %arg12[%swap3A_105] {strides = array<i32>} : memref<512xf32, #tpu.memory_space<vmem>>, vector<16xf32>,
    tpu.vector_store %arg12[%swap3A_105], %gather3A_104 {strides = array<i32>} : memref<512xf32, #tpu.memory_space<vmem>>, vector<16xf32>,
    %add3A_107 = arith.constant 208 : i32
    %add3A_108 = vector.broadcast %add3A_107 : i32 to vector<16xi32>
    %add3A_109 = arith.addi %iota3A, %add3A_108 : vector<16xi32>
    %gather3A_110 = tpu.vector_load_idx %arg11[%add3A_109, %broadcast_in_dim3A_30] : memref<512x16xf32, #tpu.memory_space<vmem>>[vector<16xi32>, vector<16xi32>], vector<16xf32>,
    %swap3A_111 = arith.constant 208 : index
    %swap3A_112 = tpu.vector_load %arg12[%swap3A_111] {strides = array<i32>} : memref<512xf32, #tpu.memory_space<vmem>>, vector<16xf32>,
    tpu.vector_store %arg12[%swap3A_111], %gather3A_110 {strides = array<i32>} : memref<512xf32, #tpu.memory_space<vmem>>, vector<16xf32>,
    %add3A_113 = arith.constant 224 : i32
    %add3A_114 = vector.broadcast %add3A_113 : i32 to vector<16xi32>
    %add3A_115 = arith.addi %iota3A, %add3A_114 : vector<16xi32>
    %gather3A_116 = tpu.vector_load_idx %arg11[%add3A_115, %broadcast_in_dim3A_30] : memref<512x16xf32, #tpu.memory_space<vmem>>[vector<16xi32>, vector<16xi32>], vector<16xf32>,
    %swap3A_117 = arith.constant 224 : index
    %swap3A_118 = tpu.vector_load %arg12[%swap3A_117] {strides = array<i32>} : memref<512xf32, #tpu.memory_space<vmem>>, vector<16xf32>,
    tpu.vector_store %arg12[%swap3A_117], %gather3A_116 {strides = array<i32>} : memref<512xf32, #tpu.memory_space<vmem>>, vector<16xf32>,
    %add3A_119 = arith.constant 240 : i32
    %add3A_120 = vector.broadcast %add3A_119 : i32 to vector<16xi32>
    %add3A_121 = arith.addi %iota3A, %add3A_120 : vector<16xi32>
    %gather3A_122 = tpu.vector_load_idx %arg11[%add3A_121, %broadcast_in_dim3A_30] : memref<512x16xf32, #tpu.memory_space<vmem>>[vector<16xi32>, vector<16xi32>], vector<16xf32>,
    %swap3A_123 = arith.constant 240 : index
    %swap3A_124 = tpu.vector_load %arg12[%swap3A_123] {strides = array<i32>} : memref<512xf32, #tpu.memory_space<vmem>>, vector<16xf32>,
    tpu.vector_store %arg12[%swap3A_123], %gather3A_122 {strides = array<i32>} : memref<512xf32, #tpu.memory_space<vmem>>, vector<16xf32>,
    %add3A_125 = arith.constant 256 : i32
    %add3A_126 = vector.broadcast %add3A_125 : i32 to vector<16xi32>
    %add3A_127 = arith.addi %iota3A, %add3A_126 : vector<16xi32>
    %gather3A_128 = tpu.vector_load_idx %arg11[%add3A_127, %broadcast_in_dim3A_30] : memref<512x16xf32, #tpu.memory_space<vmem>>[vector<16xi32>, vector<16xi32>], vector<16xf32>,
    %swap3A_129 = arith.constant 256 : index
    %swap3A_130 = tpu.vector_load %arg12[%swap3A_129] {strides = array<i32>} : memref<512xf32, #tpu.memory_space<vmem>>, vector<16xf32>,
    tpu.vector_store %arg12[%swap3A_129], %gather3A_128 {strides = array<i32>} : memref<512xf32, #tpu.memory_space<vmem>>, vector<16xf32>,
    %add3A_131 = arith.constant 272 : i32
    %add3A_132 = vector.broadcast %add3A_131 : i32 to vector<16xi32>
    %add3A_133 = arith.addi %iota3A, %add3A_132 : vector<16xi32>
    %gather3A_134 = tpu.vector_load_idx %arg11[%add3A_133, %broadcast_in_dim3A_30] : memref<512x16xf32, #tpu.memory_space<vmem>>[vector<16xi32>, vector<16xi32>], vector<16xf32>,
    %swap3A_135 = arith.constant 272 : index
    %swap3A_136 = tpu.vector_load %arg12[%swap3A_135] {strides = array<i32>} : memref<512xf32, #tpu.memory_space<vmem>>, vector<16xf32>,
    tpu.vector_store %arg12[%swap3A_135], %gather3A_134 {strides = array<i32>} : memref<512xf32, #tpu.memory_space<vmem>>, vector<16xf32>,
    %add3A_137 = arith.constant 288 : i32
    %add3A_138 = vector.broadcast %add3A_137 : i32 to vector<16xi32>
    %add3A_139 = arith.addi %iota3A, %add3A_138 : vector<16xi32>
    %gather3A_140 = tpu.vector_load_idx %arg11[%add3A_139, %broadcast_in_dim3A_30] : memref<512x16xf32, #tpu.memory_space<vmem>>[vector<16xi32>, vector<16xi32>], vector<16xf32>,
    %swap3A_141 = arith.constant 288 : index
    %swap3A_142 = tpu.vector_load %arg12[%swap3A_141] {strides = array<i32>} : memref<512xf32, #tpu.memory_space<vmem>>, vector<16xf32>,
    tpu.vector_store %arg12[%swap3A_141], %gather3A_140 {strides = array<i32>} : memref<512xf32, #tpu.memory_space<vmem>>, vector<16xf32>,
    %add3A_143 = arith.constant 304 : i32
    %add3A_144 = vector.broadcast %add3A_143 : i32 to vector<16xi32>
    %add3A_145 = arith.addi %iota3A, %add3A_144 : vector<16xi32>
    %gather3A_146 = tpu.vector_load_idx %arg11[%add3A_145, %broadcast_in_dim3A_30] : memref<512x16xf32, #tpu.memory_space<vmem>>[vector<16xi32>, vector<16xi32>], vector<16xf32>,
    %swap3A_147 = arith.constant 304 : index
    %swap3A_148 = tpu.vector_load %arg12[%swap3A_147] {strides = array<i32>} : memref<512xf32, #tpu.memory_space<vmem>>, vector<16xf32>,
    tpu.vector_store %arg12[%swap3A_147], %gather3A_146 {strides = array<i32>} : memref<512xf32, #tpu.memory_space<vmem>>, vector<16xf32>,
    %add3A_149 = arith.constant 320 : i32
    %add3A_150 = vector.broadcast %add3A_149 : i32 to vector<16xi32>
    %add3A_151 = arith.addi %iota3A, %add3A_150 : vector<16xi32>
    %gather3A_152 = tpu.vector_load_idx %arg11[%add3A_151, %broadcast_in_dim3A_30] : memref<512x16xf32, #tpu.memory_space<vmem>>[vector<16xi32>, vector<16xi32>], vector<16xf32>,
    %swap3A_153 = arith.constant 320 : index
    %swap3A_154 = tpu.vector_load %arg12[%swap3A_153] {strides = array<i32>} : memref<512xf32, #tpu.memory_space<vmem>>, vector<16xf32>,
    tpu.vector_store %arg12[%swap3A_153], %gather3A_152 {strides = array<i32>} : memref<512xf32, #tpu.memory_space<vmem>>, vector<16xf32>,
    %add3A_155 = arith.constant 336 : i32
    %add3A_156 = vector.broadcast %add3A_155 : i32 to vector<16xi32>
    %add3A_157 = arith.addi %iota3A, %add3A_156 : vector<16xi32>
    %gather3A_158 = tpu.vector_load_idx %arg11[%add3A_157, %broadcast_in_dim3A_30] : memref<512x16xf32, #tpu.memory_space<vmem>>[vector<16xi32>, vector<16xi32>], vector<16xf32>,
    %swap3A_159 = arith.constant 336 : index
    %swap3A_160 = tpu.vector_load %arg12[%swap3A_159] {strides = array<i32>} : memref<512xf32, #tpu.memory_space<vmem>>, vector<16xf32>,
    tpu.vector_store %arg12[%swap3A_159], %gather3A_158 {strides = array<i32>} : memref<512xf32, #tpu.memory_space<vmem>>, vector<16xf32>,
    %add3A_161 = arith.constant 352 : i32
    %add3A_162 = vector.broadcast %add3A_161 : i32 to vector<16xi32>
    %add3A_163 = arith.addi %iota3A, %add3A_162 : vector<16xi32>
    %gather3A_164 = tpu.vector_load_idx %arg11[%add3A_163, %broadcast_in_dim3A_30] : memref<512x16xf32, #tpu.memory_space<vmem>>[vector<16xi32>, vector<16xi32>], vector<16xf32>,
    %swap3A_165 = arith.constant 352 : index
    %swap3A_166 = tpu.vector_load %arg12[%swap3A_165] {strides = array<i32>} : memref<512xf32, #tpu.memory_space<vmem>>, vector<16xf32>,
    tpu.vector_store %arg12[%swap3A_165], %gather3A_164 {strides = array<i32>} : memref<512xf32, #tpu.memory_space<vmem>>, vector<16xf32>,
    %add3A_167 = arith.constant 368 : i32
    %add3A_168 = vector.broadcast %add3A_167 : i32 to vector<16xi32>
    %add3A_169 = arith.addi %iota3A, %add3A_168 : vector<16xi32>
    %gather3A_170 = tpu.vector_load_idx %arg11[%add3A_169, %broadcast_in_dim3A_30] : memref<512x16xf32, #tpu.memory_space<vmem>>[vector<16xi32>, vector<16xi32>], vector<16xf32>,
    %swap3A_171 = arith.constant 368 : index
    %swap3A_172 = tpu.vector_load %arg12[%swap3A_171] {strides = array<i32>} : memref<512xf32, #tpu.memory_space<vmem>>, vector<16xf32>,
    tpu.vector_store %arg12[%swap3A_171], %gather3A_170 {strides = array<i32>} : memref<512xf32, #tpu.memory_space<vmem>>, vector<16xf32>,
    %add3A_173 = arith.constant 384 : i32
    %add3A_174 = vector.broadcast %add3A_173 : i32 to vector<16xi32>
    %add3A_175 = arith.addi %iota3A, %add3A_174 : vector<16xi32>
    %gather3A_176 = tpu.vector_load_idx %arg11[%add3A_175, %broadcast_in_dim3A_30] : memref<512x16xf32, #tpu.memory_space<vmem>>[vector<16xi32>, vector<16xi32>], vector<16xf32>,
    %swap3A_177 = arith.constant 384 : index
    %swap3A_178 = tpu.vector_load %arg12[%swap3A_177] {strides = array<i32>} : memref<512xf32, #tpu.memory_space<vmem>>, vector<16xf32>,
    tpu.vector_store %arg12[%swap3A_177], %gather3A_176 {strides = array<i32>} : memref<512xf32, #tpu.memory_space<vmem>>, vector<16xf32>,
    %add3A_179 = arith.constant 400 : i32
    %add3A_180 = vector.broadcast %add3A_179 : i32 to vector<16xi32>
    %add3A_181 = arith.addi %iota3A, %add3A_180 : vector<16xi32>
    %gather3A_182 = tpu.vector_load_idx %arg11[%add3A_181, %broadcast_in_dim3A_30] : memref<512x16xf32, #tpu.memory_space<vmem>>[vector<16xi32>, vector<16xi32>], vector<16xf32>,
    %swap3A_183 = arith.constant 400 : index
    %swap3A_184 = tpu.vector_load %arg12[%swap3A_183] {strides = array<i32>} : memref<512xf32, #tpu.memory_space<vmem>>, vector<16xf32>,
    tpu.vector_store %arg12[%swap3A_183], %gather3A_182 {strides = array<i32>} : memref<512xf32, #tpu.memory_space<vmem>>, vector<16xf32>,
    %add3A_185 = arith.constant 416 : i32
    %add3A_186 = vector.broadcast %add3A_185 : i32 to vector<16xi32>
    %add3A_187 = arith.addi %iota3A, %add3A_186 : vector<16xi32>
    %gather3A_188 = tpu.vector_load_idx %arg11[%add3A_187, %broadcast_in_dim3A_30] : memref<512x16xf32, #tpu.memory_space<vmem>>[vector<16xi32>, vector<16xi32>], vector<16xf32>,
    %swap3A_189 = arith.constant 416 : index
    %swap3A_190 = tpu.vector_load %arg12[%swap3A_189] {strides = array<i32>} : memref<512xf32, #tpu.memory_space<vmem>>, vector<16xf32>,
    tpu.vector_store %arg12[%swap3A_189], %gather3A_188 {strides = array<i32>} : memref<512xf32, #tpu.memory_space<vmem>>, vector<16xf32>,
    %add3A_191 = arith.constant 432 : i32
    %add3A_192 = vector.broadcast %add3A_191 : i32 to vector<16xi32>
    %add3A_193 = arith.addi %iota3A, %add3A_192 : vector<16xi32>
    %gather3A_194 = tpu.vector_load_idx %arg11[%add3A_193, %broadcast_in_dim3A_30] : memref<512x16xf32, #tpu.memory_space<vmem>>[vector<16xi32>, vector<16xi32>], vector<16xf32>,
    %swap3A_195 = arith.constant 432 : index
    %swap3A_196 = tpu.vector_load %arg12[%swap3A_195] {strides = array<i32>} : memref<512xf32, #tpu.memory_space<vmem>>, vector<16xf32>,
    tpu.vector_store %arg12[%swap3A_195], %gather3A_194 {strides = array<i32>} : memref<512xf32, #tpu.memory_space<vmem>>, vector<16xf32>,
    %add3A_197 = arith.constant 448 : i32
    %add3A_198 = vector.broadcast %add3A_197 : i32 to vector<16xi32>
    %add3A_199 = arith.addi %iota3A, %add3A_198 : vector<16xi32>
    %gather3A_200 = tpu.vector_load_idx %arg11[%add3A_199, %broadcast_in_dim3A_30] : memref<512x16xf32, #tpu.memory_space<vmem>>[vector<16xi32>, vector<16xi32>], vector<16xf32>,
    %swap3A_201 = arith.constant 448 : index
    %swap3A_202 = tpu.vector_load %arg12[%swap3A_201] {strides = array<i32>} : memref<512xf32, #tpu.memory_space<vmem>>, vector<16xf32>,
    tpu.vector_store %arg12[%swap3A_201], %gather3A_200 {strides = array<i32>} : memref<512xf32, #tpu.memory_space<vmem>>, vector<16xf32>,
    %add3A_203 = arith.constant 464 : i32
    %add3A_204 = vector.broadcast %add3A_203 : i32 to vector<16xi32>
    %add3A_205 = arith.addi %iota3A, %add3A_204 : vector<16xi32>
    %gather3A_206 = tpu.vector_load_idx %arg11[%add3A_205, %broadcast_in_dim3A_30] : memref<512x16xf32, #tpu.memory_space<vmem>>[vector<16xi32>, vector<16xi32>], vector<16xf32>,
    %swap3A_207 = arith.constant 464 : index
    %swap3A_208 = tpu.vector_load %arg12[%swap3A_207] {strides = array<i32>} : memref<512xf32, #tpu.memory_space<vmem>>, vector<16xf32>,
    tpu.vector_store %arg12[%swap3A_207], %gather3A_206 {strides = array<i32>} : memref<512xf32, #tpu.memory_space<vmem>>, vector<16xf32>,
    %add3A_209 = arith.constant 480 : i32
    %add3A_210 = vector.broadcast %add3A_209 : i32 to vector<16xi32>
    %add3A_211 = arith.addi %iota3A, %add3A_210 : vector<16xi32>
    %gather3A_212 = tpu.vector_load_idx %arg11[%add3A_211, %broadcast_in_dim3A_30] : memref<512x16xf32, #tpu.memory_space<vmem>>[vector<16xi32>, vector<16xi32>], vector<16xf32>,
    %swap3A_213 = arith.constant 480 : index
    %swap3A_214 = tpu.vector_load %arg12[%swap3A_213] {strides = array<i32>} : memref<512xf32, #tpu.memory_space<vmem>>, vector<16xf32>,
    tpu.vector_store %arg12[%swap3A_213], %gather3A_212 {strides = array<i32>} : memref<512xf32, #tpu.memory_space<vmem>>, vector<16xf32>,
    %add3A_215 = arith.constant 496 : i32
    %add3A_216 = vector.broadcast %add3A_215 : i32 to vector<16xi32>
    %add3A_217 = arith.addi %iota3A, %add3A_216 : vector<16xi32>
    %gather3A_218 = tpu.vector_load_idx %arg11[%add3A_217, %broadcast_in_dim3A_30] : memref<512x16xf32, #tpu.memory_space<vmem>>[vector<16xi32>, vector<16xi32>], vector<16xf32>,
    %swap3A_219 = arith.constant 496 : index
    %swap3A_220 = tpu.vector_load %arg12[%swap3A_219] {strides = array<i32>} : memref<512xf32, #tpu.memory_space<vmem>>, vector<16xf32>,
    tpu.vector_store %arg12[%swap3A_219], %gather3A_218 {strides = array<i32>} : memref<512xf32, #tpu.memory_space<vmem>>, vector<16xf32>,
    %mul3A_221 = arith.constant 512 : i32
    %mul3A_222 = arith.muli %arg1, %mul3A_221 : i32
    "tpu.region"() ({
      %run_scoped3A_244 = tpu.sem_alloc : memref<!tpu.dma_semaphore, #tpu.memory_space<semaphore_mem>>
      %dma_start3A_245 = tpu.memref_slice %arg7[%arg0, %mul3A_222] : memref<2x8192xf32, #tpu.memory_space<hbm>> -> memref<1x512xf32, #tpu.memory_space<hbm>>
      %dma_start3A_246 = tpu.memref_squeeze %dma_start3A_245 : memref<1x512xf32, #tpu.memory_space<hbm>> -> memref<512xf32, #tpu.memory_space<hbm>>
      %dma_start3A_247 = tpu.memref_slice %arg7[%arg0, %mul3A_222] : memref<2x8192xf32, #tpu.memory_space<hbm>> -> memref<1x512xf32, #tpu.memory_space<hbm>>
      %dma_start3A_248 = tpu.memref_squeeze %dma_start3A_247 : memref<1x512xf32, #tpu.memory_space<hbm>> -> memref<512xf32, #tpu.memory_space<hbm>>
      tpu.enqueue_dma source(%arg12 : memref<512xf32, #tpu.memory_space<vmem>>) target(%dma_start3A_248 : memref<512xf32, #tpu.memory_space<hbm>>) target_semaphore(%run_scoped3A_244 : memref<!tpu.dma_semaphore, #tpu.memory_space<semaphore_mem>>)
      %dma_wait3A_249 = tpu.memref_slice %arg7[%arg0, %mul3A_222] : memref<2x8192xf32, #tpu.memory_space<hbm>> -> memref<1x512xf32, #tpu.memory_space<hbm>>
      %dma_wait3A_250 = tpu.memref_squeeze %dma_wait3A_249 : memref<1x512xf32, #tpu.memory_space<hbm>> -> memref<512xf32, #tpu.memory_space<hbm>>
      %dma_wait3A_251 = tpu.memref_slice %arg7[%arg0, %mul3A_222] : memref<2x8192xf32, #tpu.memory_space<hbm>> -> memref<1x512xf32, #tpu.memory_space<hbm>>
      %dma_wait3A_252 = tpu.memref_squeeze %dma_wait3A_251 : memref<1x512xf32, #tpu.memory_space<hbm>> -> memref<512xf32, #tpu.memory_space<hbm>>
      tpu.wait_dma2 semaphore(%run_scoped3A_244 : memref<!tpu.dma_semaphore, #tpu.memory_space<semaphore_mem>>) src(%arg12 : memref<512xf32, #tpu.memory_space<vmem>>) dst(%dma_wait3A_252 : memref<512xf32, #tpu.memory_space<hbm>>)
      tpu.yield
    }) : () -> ()
    %dma_wait3A = arith.constant 0 : i32
    %dma_wait3A_223 = arith.constant 0 : i32
    %dma_wait3A_224 = arith.constant 0 : i32
    %dma_wait3A_225 = tpu.memref_slice %arg9[%dma_wait3A_223, %dma_wait3A_224] : memref<256x64xf32, #tpu.memory_space<vmem>> -> memref<128x64xf32, #tpu.memory_space<vmem>>
    %dma_wait3A_226 = arith.constant 0 : i32
    %dma_wait3A_227 = tpu.memref_slice %arg8[%dma_wait3A, %dma_wait3A_226] : memref<2x128xi32, #tpu.memory_space<vmem>> -> memref<1x128xi32, #tpu.memory_space<vmem>>
    %dma_wait3A_228 = tpu.memref_squeeze %dma_wait3A_227 : memref<1x128xi32, #tpu.memory_space<vmem>> -> memref<128xi32, #tpu.memory_space<vmem>>
    %dma_wait3A_229 = arith.constant 0 : i32
    %dma_wait3A_230 = arith.constant 0 : i32
    %dma_wait3A_231 = tpu.memref_slice %arg2[%dma_wait3A_229, %dma_wait3A_230] : memref<8192x64xf32, #tpu.memory_space<hbm>> -> memref<8192x64xf32, #tpu.memory_space<hbm>>
    tpu.wait_indirect_dma semaphore(%arg14 : memref<!tpu.dma_semaphore, #tpu.memory_space<semaphore_mem>>) src(%dma_wait3A_231 : memref<8192x64xf32, #tpu.memory_space<hbm>>) dst(%dma_wait3A_225 : memref<128x64xf32, #tpu.memory_space<vmem>>)
    %dma_wait3A_232 = arith.constant 1 : i32
    %dma_wait3A_233 = arith.constant 128 : i32
    %dma_wait3A_234 = arith.constant 0 : i32
    %dma_wait3A_235 = tpu.memref_slice %arg9[%dma_wait3A_233, %dma_wait3A_234] : memref<256x64xf32, #tpu.memory_space<vmem>> -> memref<128x64xf32, #tpu.memory_space<vmem>>
    %dma_wait3A_236 = arith.constant 0 : i32
    %dma_wait3A_237 = tpu.memref_slice %arg8[%dma_wait3A_232, %dma_wait3A_236] : memref<2x128xi32, #tpu.memory_space<vmem>> -> memref<1x128xi32, #tpu.memory_space<vmem>>
    %dma_wait3A_238 = tpu.memref_squeeze %dma_wait3A_237 : memref<1x128xi32, #tpu.memory_space<vmem>> -> memref<128xi32, #tpu.memory_space<vmem>>
    %dma_wait3A_239 = arith.constant 0 : i32
    %dma_wait3A_240 = arith.constant 0 : i32
    %dma_wait3A_241 = tpu.memref_slice %arg2[%dma_wait3A_239, %dma_wait3A_240] : memref<8192x64xf32, #tpu.memory_space<hbm>> -> memref<8192x64xf32, #tpu.memory_space<hbm>>
    tpu.wait_indirect_dma semaphore(%arg14 : memref<!tpu.dma_semaphore, #tpu.memory_space<semaphore_mem>>) src(%dma_wait3A_241 : memref<8192x64xf32, #tpu.memory_space<hbm>>) dst(%dma_wait3A_235 : memref<128x64xf32, #tpu.memory_space<vmem>>)
    %mul3A_242 = arith.constant 256 : i32
    %mul3A_243 = arith.muli %add3A, %mul3A_242 : i32
    "tpu.region"() ({
      %run_scoped3A_244 = tpu.sem_alloc : memref<!tpu.dma_semaphore, #tpu.memory_space<semaphore_mem>>
      %dma_start3A_245 = arith.constant 0 : i32
      %dma_start3A_246 = tpu.memref_slice %arg6[%mul3A_243, %dma_start3A_245] : memref<8192x64xf32, #tpu.memory_space<hbm>> -> memref<256x64xf32, #tpu.memory_space<hbm>>
      %dma_start3A_247 = arith.constant 0 : i32
      %dma_start3A_248 = tpu.memref_slice %arg6[%mul3A_243, %dma_start3A_247] : memref<8192x64xf32, #tpu.memory_space<hbm>> -> memref<256x64xf32, #tpu.memory_space<hbm>>
      tpu.enqueue_dma source(%arg9 : memref<256x64xf32, #tpu.memory_space<vmem>>) target(%dma_start3A_248 : memref<256x64xf32, #tpu.memory_space<hbm>>) target_semaphore(%run_scoped3A_244 : memref<!tpu.dma_semaphore, #tpu.memory_space<semaphore_mem>>)
      %dma_wait3A_249 = arith.constant 0 : i32
      %dma_wait3A_250 = tpu.memref_slice %arg6[%mul3A_243, %dma_wait3A_249] : memref<8192x64xf32, #tpu.memory_space<hbm>> -> memref<256x64xf32, #tpu.memory_space<hbm>>
      %dma_wait3A_251 = arith.constant 0 : i32
      %dma_wait3A_252 = tpu.memref_slice %arg6[%mul3A_243, %dma_wait3A_251] : memref<8192x64xf32, #tpu.memory_space<hbm>> -> memref<256x64xf32, #tpu.memory_space<hbm>>
      tpu.wait_dma2 semaphore(%run_scoped3A_244 : memref<!tpu.dma_semaphore, #tpu.memory_space<semaphore_mem>>) src(%arg9 : memref<256x64xf32, #tpu.memory_space<vmem>>) dst(%dma_wait3A_252 : memref<256x64xf32, #tpu.memory_space<hbm>>)
      tpu.yield
    }) : () -> ()
    return
  }
}

module attributes {stable_mosaic.version = 14 : i64} {
  func.func @_argmin_body(%arg0: i32, %arg1: memref<256x64xf32, #tpu.memory_space<vmem>>, %arg2: memref<8192x64xf32, #tpu.memory_space<vmem>>, %arg3: memref<256x1xf32, #tpu.memory_space<vmem>>, %arg4: memref<1x8192xf32, #tpu.memory_space<vmem>>, %arg5: memref<256x1xi32, #tpu.memory_space<vmem>>, %arg6: memref<256x1xf32, #tpu.memory_space<vmem>>) attributes {dimension_semantics = [#tpu.dimension_semantics<parallel>], iteration_bounds = array<i64: 32>, scalar_prefetch = 0 : i64, scratch_operands = 0 : i64, tpu.core_type = #tpu.core_type<tc>, window_params = [{transform_indices = @transform_0, window_bounds = array<i64: 256, 64>}, {pipeline_mode = #tpu.pipeline_mode<synchronous>, transform_indices = @transform_1, window_bounds = array<i64: 8192, 64>}, {transform_indices = @transform_2, window_bounds = array<i64: 256, 1>}, {pipeline_mode = #tpu.pipeline_mode<synchronous>, transform_indices = @transform_3, window_bounds = array<i64: 1, 8192>}, {transform_indices = @transform_4, window_bounds = array<i64: 256, 1>}, {transform_indices = @transform_5, window_bounds = array<i64: 256, 1>}]} {
    %get3A = arith.constant 0 : index
    %get3A_0 = arith.constant 0 : index
    %get3A_1 = vector.load %arg1[%get3A, %get3A_0] : memref<256x64xf32, #tpu.memory_space<vmem>>, vector<256x64xf32>
    %get3A_2 = arith.constant 0 : index
    %get3A_3 = arith.constant 0 : index
    %get3A_4 = vector.load %arg3[%get3A_2, %get3A_3] : memref<256x1xf32, #tpu.memory_space<vmem>>, vector<256x1xf32>
    %iota3A = tpu.iota {dimensions = array<i32: 1>} : vector<256x128xi32>
    %broadcast_in_dim3A = arith.constant 0x7F800000 : f32
    %broadcast_in_dim3A_5 = vector.broadcast %broadcast_in_dim3A : f32 to vector<256x128xf32>
    %broadcast_in_dim3A_6 = arith.constant 0 : i32
    %broadcast_in_dim3A_7 = vector.broadcast %broadcast_in_dim3A_6 : i32 to vector<256x128xi32>
    %get3A_8 = arith.constant 0 : index
    %get3A_9 = arith.constant 0 : index
    %get3A_10 = vector.load %arg2[%get3A_8, %get3A_9] : memref<8192x64xf32, #tpu.memory_space<vmem>>, vector<1024x64xf32>
    %dot_general3A = arith.constant dense<0.000000e+00> : vector<256x1024xf32>
    %dot_general3A_11 = tpu.matmul %get3A_1, %get3A_10, %dot_general3A {dimension_numbers = #tpu.dot_dimension_numbers<[1], [1], [0], [0], [0, 0, 1, 0], [], []>, transpose_lhs_hint = false} : vector<256x64xf32>, vector<1024x64xf32>, vector<256x1024xf32> -> vector<256x1024xf32>
    %slice3A = vector.extract_strided_slice %dot_general3A_11 {offsets = [0, 0], sizes = [256, 128], strides = [1, 1]} : vector<256x1024xf32> to vector<256x128xf32>
    %get3A_12 = arith.constant 0 : index
    %get3A_13 = arith.constant 0 : index
    %get3A_14 = vector.load %arg4[%get3A_12, %get3A_13] : memref<1x8192xf32, #tpu.memory_space<vmem>>, vector<1x8192xf32>
    %slice3A_15 = vector.extract_strided_slice %get3A_14 {offsets = [0, 0], sizes = [1, 128], strides = [1, 1]} : vector<1x8192xf32> to vector<1x128xf32>
    %add3A = vector.broadcast %get3A_4 : vector<256x1xf32> to vector<256x128xf32>
    %add3A_16 = vector.broadcast %slice3A_15 : vector<1x128xf32> to vector<256x128xf32>
    %add3A_17 = arith.addf %add3A, %add3A_16 : vector<256x128xf32>
    %mul3A = arith.constant 2.000000e+00 : f32
    %mul3A_18 = vector.broadcast %mul3A : f32 to vector<256x128xf32>
    %mul3A_19 = arith.mulf %mul3A_18, %slice3A : vector<256x128xf32>
    %sub3A = arith.subf %add3A_17, %mul3A_19 : vector<256x128xf32>
    %lt3A = arith.cmpf olt, %sub3A, %broadcast_in_dim3A_5 : vector<256x128xf32>
    %select_n3A = arith.select %lt3A, %sub3A, %broadcast_in_dim3A_5 : vector<256x128xi1>, vector<256x128xf32>
    %add3A_20 = arith.constant 0 : i32
    %add3A_21 = vector.broadcast %add3A_20 : i32 to vector<256x128xi32>
    %add3A_22 = arith.addi %iota3A, %add3A_21 : vector<256x128xi32>
    %select_n3A_23 = arith.select %lt3A, %add3A_22, %broadcast_in_dim3A_7 : vector<256x128xi1>, vector<256x128xi32>
    %slice3A_24 = vector.extract_strided_slice %dot_general3A_11 {offsets = [0, 128], sizes = [256, 128], strides = [1, 1]} : vector<256x1024xf32> to vector<256x128xf32>
    %get3A_25 = arith.constant 0 : index
    %get3A_26 = arith.constant 0 : index
    %get3A_27 = vector.load %arg4[%get3A_25, %get3A_26] : memref<1x8192xf32, #tpu.memory_space<vmem>>, vector<1x8192xf32>
    %slice3A_28 = vector.extract_strided_slice %get3A_27 {offsets = [0, 128], sizes = [1, 128], strides = [1, 1]} : vector<1x8192xf32> to vector<1x128xf32>
    %add3A_29 = vector.broadcast %get3A_4 : vector<256x1xf32> to vector<256x128xf32>
    %add3A_30 = vector.broadcast %slice3A_28 : vector<1x128xf32> to vector<256x128xf32>
    %add3A_31 = arith.addf %add3A_29, %add3A_30 : vector<256x128xf32>
    %mul3A_32 = arith.constant 2.000000e+00 : f32
    %mul3A_33 = vector.broadcast %mul3A_32 : f32 to vector<256x128xf32>
    %mul3A_34 = arith.mulf %mul3A_33, %slice3A_24 : vector<256x128xf32>
    %sub3A_35 = arith.subf %add3A_31, %mul3A_34 : vector<256x128xf32>
    %lt3A_36 = arith.cmpf olt, %sub3A_35, %select_n3A : vector<256x128xf32>
    %select_n3A_37 = arith.select %lt3A_36, %sub3A_35, %select_n3A : vector<256x128xi1>, vector<256x128xf32>
    %add3A_38 = arith.constant 128 : i32
    %add3A_39 = vector.broadcast %add3A_38 : i32 to vector<256x128xi32>
    %add3A_40 = arith.addi %iota3A, %add3A_39 : vector<256x128xi32>
    %select_n3A_41 = arith.select %lt3A_36, %add3A_40, %select_n3A_23 : vector<256x128xi1>, vector<256x128xi32>
    %slice3A_42 = vector.extract_strided_slice %dot_general3A_11 {offsets = [0, 256], sizes = [256, 128], strides = [1, 1]} : vector<256x1024xf32> to vector<256x128xf32>
    %get3A_43 = arith.constant 0 : index
    %get3A_44 = arith.constant 0 : index
    %get3A_45 = vector.load %arg4[%get3A_43, %get3A_44] : memref<1x8192xf32, #tpu.memory_space<vmem>>, vector<1x8192xf32>
    %slice3A_46 = vector.extract_strided_slice %get3A_45 {offsets = [0, 256], sizes = [1, 128], strides = [1, 1]} : vector<1x8192xf32> to vector<1x128xf32>
    %add3A_47 = vector.broadcast %get3A_4 : vector<256x1xf32> to vector<256x128xf32>
    %add3A_48 = vector.broadcast %slice3A_46 : vector<1x128xf32> to vector<256x128xf32>
    %add3A_49 = arith.addf %add3A_47, %add3A_48 : vector<256x128xf32>
    %mul3A_50 = arith.constant 2.000000e+00 : f32
    %mul3A_51 = vector.broadcast %mul3A_50 : f32 to vector<256x128xf32>
    %mul3A_52 = arith.mulf %mul3A_51, %slice3A_42 : vector<256x128xf32>
    %sub3A_53 = arith.subf %add3A_49, %mul3A_52 : vector<256x128xf32>
    %lt3A_54 = arith.cmpf olt, %sub3A_53, %select_n3A_37 : vector<256x128xf32>
    %select_n3A_55 = arith.select %lt3A_54, %sub3A_53, %select_n3A_37 : vector<256x128xi1>, vector<256x128xf32>
    %add3A_56 = arith.constant 256 : i32
    %add3A_57 = vector.broadcast %add3A_56 : i32 to vector<256x128xi32>
    %add3A_58 = arith.addi %iota3A, %add3A_57 : vector<256x128xi32>
    %select_n3A_59 = arith.select %lt3A_54, %add3A_58, %select_n3A_41 : vector<256x128xi1>, vector<256x128xi32>
    %slice3A_60 = vector.extract_strided_slice %dot_general3A_11 {offsets = [0, 384], sizes = [256, 128], strides = [1, 1]} : vector<256x1024xf32> to vector<256x128xf32>
    %get3A_61 = arith.constant 0 : index
    %get3A_62 = arith.constant 0 : index
    %get3A_63 = vector.load %arg4[%get3A_61, %get3A_62] : memref<1x8192xf32, #tpu.memory_space<vmem>>, vector<1x8192xf32>
    %slice3A_64 = vector.extract_strided_slice %get3A_63 {offsets = [0, 384], sizes = [1, 128], strides = [1, 1]} : vector<1x8192xf32> to vector<1x128xf32>
    %add3A_65 = vector.broadcast %get3A_4 : vector<256x1xf32> to vector<256x128xf32>
    %add3A_66 = vector.broadcast %slice3A_64 : vector<1x128xf32> to vector<256x128xf32>
    %add3A_67 = arith.addf %add3A_65, %add3A_66 : vector<256x128xf32>
    %mul3A_68 = arith.constant 2.000000e+00 : f32
    %mul3A_69 = vector.broadcast %mul3A_68 : f32 to vector<256x128xf32>
    %mul3A_70 = arith.mulf %mul3A_69, %slice3A_60 : vector<256x128xf32>
    %sub3A_71 = arith.subf %add3A_67, %mul3A_70 : vector<256x128xf32>
    %lt3A_72 = arith.cmpf olt, %sub3A_71, %select_n3A_55 : vector<256x128xf32>
    %select_n3A_73 = arith.select %lt3A_72, %sub3A_71, %select_n3A_55 : vector<256x128xi1>, vector<256x128xf32>
    %add3A_74 = arith.constant 384 : i32
    %add3A_75 = vector.broadcast %add3A_74 : i32 to vector<256x128xi32>
    %add3A_76 = arith.addi %iota3A, %add3A_75 : vector<256x128xi32>
    %select_n3A_77 = arith.select %lt3A_72, %add3A_76, %select_n3A_59 : vector<256x128xi1>, vector<256x128xi32>
    %slice3A_78 = vector.extract_strided_slice %dot_general3A_11 {offsets = [0, 512], sizes = [256, 128], strides = [1, 1]} : vector<256x1024xf32> to vector<256x128xf32>
    %get3A_79 = arith.constant 0 : index
    %get3A_80 = arith.constant 0 : index
    %get3A_81 = vector.load %arg4[%get3A_79, %get3A_80] : memref<1x8192xf32, #tpu.memory_space<vmem>>, vector<1x8192xf32>
    %slice3A_82 = vector.extract_strided_slice %get3A_81 {offsets = [0, 512], sizes = [1, 128], strides = [1, 1]} : vector<1x8192xf32> to vector<1x128xf32>
    %add3A_83 = vector.broadcast %get3A_4 : vector<256x1xf32> to vector<256x128xf32>
    %add3A_84 = vector.broadcast %slice3A_82 : vector<1x128xf32> to vector<256x128xf32>
    %add3A_85 = arith.addf %add3A_83, %add3A_84 : vector<256x128xf32>
    %mul3A_86 = arith.constant 2.000000e+00 : f32
    %mul3A_87 = vector.broadcast %mul3A_86 : f32 to vector<256x128xf32>
    %mul3A_88 = arith.mulf %mul3A_87, %slice3A_78 : vector<256x128xf32>
    %sub3A_89 = arith.subf %add3A_85, %mul3A_88 : vector<256x128xf32>
    %lt3A_90 = arith.cmpf olt, %sub3A_89, %select_n3A_73 : vector<256x128xf32>
    %select_n3A_91 = arith.select %lt3A_90, %sub3A_89, %select_n3A_73 : vector<256x128xi1>, vector<256x128xf32>
    %add3A_92 = arith.constant 512 : i32
    %add3A_93 = vector.broadcast %add3A_92 : i32 to vector<256x128xi32>
    %add3A_94 = arith.addi %iota3A, %add3A_93 : vector<256x128xi32>
    %select_n3A_95 = arith.select %lt3A_90, %add3A_94, %select_n3A_77 : vector<256x128xi1>, vector<256x128xi32>
    %slice3A_96 = vector.extract_strided_slice %dot_general3A_11 {offsets = [0, 640], sizes = [256, 128], strides = [1, 1]} : vector<256x1024xf32> to vector<256x128xf32>
    %get3A_97 = arith.constant 0 : index
    %get3A_98 = arith.constant 0 : index
    %get3A_99 = vector.load %arg4[%get3A_97, %get3A_98] : memref<1x8192xf32, #tpu.memory_space<vmem>>, vector<1x8192xf32>
    %slice3A_100 = vector.extract_strided_slice %get3A_99 {offsets = [0, 640], sizes = [1, 128], strides = [1, 1]} : vector<1x8192xf32> to vector<1x128xf32>
    %add3A_101 = vector.broadcast %get3A_4 : vector<256x1xf32> to vector<256x128xf32>
    %add3A_102 = vector.broadcast %slice3A_100 : vector<1x128xf32> to vector<256x128xf32>
    %add3A_103 = arith.addf %add3A_101, %add3A_102 : vector<256x128xf32>
    %mul3A_104 = arith.constant 2.000000e+00 : f32
    %mul3A_105 = vector.broadcast %mul3A_104 : f32 to vector<256x128xf32>
    %mul3A_106 = arith.mulf %mul3A_105, %slice3A_96 : vector<256x128xf32>
    %sub3A_107 = arith.subf %add3A_103, %mul3A_106 : vector<256x128xf32>
    %lt3A_108 = arith.cmpf olt, %sub3A_107, %select_n3A_91 : vector<256x128xf32>
    %select_n3A_109 = arith.select %lt3A_108, %sub3A_107, %select_n3A_91 : vector<256x128xi1>, vector<256x128xf32>
    %add3A_110 = arith.constant 640 : i32
    %add3A_111 = vector.broadcast %add3A_110 : i32 to vector<256x128xi32>
    %add3A_112 = arith.addi %iota3A, %add3A_111 : vector<256x128xi32>
    %select_n3A_113 = arith.select %lt3A_108, %add3A_112, %select_n3A_95 : vector<256x128xi1>, vector<256x128xi32>
    %slice3A_114 = vector.extract_strided_slice %dot_general3A_11 {offsets = [0, 768], sizes = [256, 128], strides = [1, 1]} : vector<256x1024xf32> to vector<256x128xf32>
    %get3A_115 = arith.constant 0 : index
    %get3A_116 = arith.constant 0 : index
    %get3A_117 = vector.load %arg4[%get3A_115, %get3A_116] : memref<1x8192xf32, #tpu.memory_space<vmem>>, vector<1x8192xf32>
    %slice3A_118 = vector.extract_strided_slice %get3A_117 {offsets = [0, 768], sizes = [1, 128], strides = [1, 1]} : vector<1x8192xf32> to vector<1x128xf32>
    %add3A_119 = vector.broadcast %get3A_4 : vector<256x1xf32> to vector<256x128xf32>
    %add3A_120 = vector.broadcast %slice3A_118 : vector<1x128xf32> to vector<256x128xf32>
    %add3A_121 = arith.addf %add3A_119, %add3A_120 : vector<256x128xf32>
    %mul3A_122 = arith.constant 2.000000e+00 : f32
    %mul3A_123 = vector.broadcast %mul3A_122 : f32 to vector<256x128xf32>
    %mul3A_124 = arith.mulf %mul3A_123, %slice3A_114 : vector<256x128xf32>
    %sub3A_125 = arith.subf %add3A_121, %mul3A_124 : vector<256x128xf32>
    %lt3A_126 = arith.cmpf olt, %sub3A_125, %select_n3A_109 : vector<256x128xf32>
    %select_n3A_127 = arith.select %lt3A_126, %sub3A_125, %select_n3A_109 : vector<256x128xi1>, vector<256x128xf32>
    %add3A_128 = arith.constant 768 : i32
    %add3A_129 = vector.broadcast %add3A_128 : i32 to vector<256x128xi32>
    %add3A_130 = arith.addi %iota3A, %add3A_129 : vector<256x128xi32>
    %select_n3A_131 = arith.select %lt3A_126, %add3A_130, %select_n3A_113 : vector<256x128xi1>, vector<256x128xi32>
    %slice3A_132 = vector.extract_strided_slice %dot_general3A_11 {offsets = [0, 896], sizes = [256, 128], strides = [1, 1]} : vector<256x1024xf32> to vector<256x128xf32>
    %get3A_133 = arith.constant 0 : index
    %get3A_134 = arith.constant 0 : index
    %get3A_135 = vector.load %arg4[%get3A_133, %get3A_134] : memref<1x8192xf32, #tpu.memory_space<vmem>>, vector<1x8192xf32>
    %slice3A_136 = vector.extract_strided_slice %get3A_135 {offsets = [0, 896], sizes = [1, 128], strides = [1, 1]} : vector<1x8192xf32> to vector<1x128xf32>
    %add3A_137 = vector.broadcast %get3A_4 : vector<256x1xf32> to vector<256x128xf32>
    %add3A_138 = vector.broadcast %slice3A_136 : vector<1x128xf32> to vector<256x128xf32>
    %add3A_139 = arith.addf %add3A_137, %add3A_138 : vector<256x128xf32>
    %mul3A_140 = arith.constant 2.000000e+00 : f32
    %mul3A_141 = vector.broadcast %mul3A_140 : f32 to vector<256x128xf32>
    %mul3A_142 = arith.mulf %mul3A_141, %slice3A_132 : vector<256x128xf32>
    %sub3A_143 = arith.subf %add3A_139, %mul3A_142 : vector<256x128xf32>
    %lt3A_144 = arith.cmpf olt, %sub3A_143, %select_n3A_127 : vector<256x128xf32>
    %select_n3A_145 = arith.select %lt3A_144, %sub3A_143, %select_n3A_127 : vector<256x128xi1>, vector<256x128xf32>
    %add3A_146 = arith.constant 896 : i32
    %add3A_147 = vector.broadcast %add3A_146 : i32 to vector<256x128xi32>
    %add3A_148 = arith.addi %iota3A, %add3A_147 : vector<256x128xi32>
    %select_n3A_149 = arith.select %lt3A_144, %add3A_148, %select_n3A_131 : vector<256x128xi1>, vector<256x128xi32>
    %get3A_150 = arith.constant 1024 : index
    %get3A_151 = arith.constant 0 : index
    %get3A_152 = vector.load %arg2[%get3A_150, %get3A_151] : memref<8192x64xf32, #tpu.memory_space<vmem>>, vector<1024x64xf32>
    %dot_general3A_153 = arith.constant dense<0.000000e+00> : vector<256x1024xf32>
    %dot_general3A_154 = tpu.matmul %get3A_1, %get3A_152, %dot_general3A_153 {dimension_numbers = #tpu.dot_dimension_numbers<[1], [1], [0], [0], [0, 0, 1, 0], [], []>, transpose_lhs_hint = false} : vector<256x64xf32>, vector<1024x64xf32>, vector<256x1024xf32> -> vector<256x1024xf32>
    %slice3A_155 = vector.extract_strided_slice %dot_general3A_154 {offsets = [0, 0], sizes = [256, 128], strides = [1, 1]} : vector<256x1024xf32> to vector<256x128xf32>
    %get3A_156 = arith.constant 0 : index
    %get3A_157 = arith.constant 0 : index
    %get3A_158 = vector.load %arg4[%get3A_156, %get3A_157] : memref<1x8192xf32, #tpu.memory_space<vmem>>, vector<1x8192xf32>
    %slice3A_159 = vector.extract_strided_slice %get3A_158 {offsets = [0, 1024], sizes = [1, 128], strides = [1, 1]} : vector<1x8192xf32> to vector<1x128xf32>
    %add3A_160 = vector.broadcast %get3A_4 : vector<256x1xf32> to vector<256x128xf32>
    %add3A_161 = vector.broadcast %slice3A_159 : vector<1x128xf32> to vector<256x128xf32>
    %add3A_162 = arith.addf %add3A_160, %add3A_161 : vector<256x128xf32>
    %mul3A_163 = arith.constant 2.000000e+00 : f32
    %mul3A_164 = vector.broadcast %mul3A_163 : f32 to vector<256x128xf32>
    %mul3A_165 = arith.mulf %mul3A_164, %slice3A_155 : vector<256x128xf32>
    %sub3A_166 = arith.subf %add3A_162, %mul3A_165 : vector<256x128xf32>
    %lt3A_167 = arith.cmpf olt, %sub3A_166, %select_n3A_145 : vector<256x128xf32>
    %select_n3A_168 = arith.select %lt3A_167, %sub3A_166, %select_n3A_145 : vector<256x128xi1>, vector<256x128xf32>
    %add3A_169 = arith.constant 1024 : i32
    %add3A_170 = vector.broadcast %add3A_169 : i32 to vector<256x128xi32>
    %add3A_171 = arith.addi %iota3A, %add3A_170 : vector<256x128xi32>
    %select_n3A_172 = arith.select %lt3A_167, %add3A_171, %select_n3A_149 : vector<256x128xi1>, vector<256x128xi32>
    %slice3A_173 = vector.extract_strided_slice %dot_general3A_154 {offsets = [0, 128], sizes = [256, 128], strides = [1, 1]} : vector<256x1024xf32> to vector<256x128xf32>
    %get3A_174 = arith.constant 0 : index
    %get3A_175 = arith.constant 0 : index
    %get3A_176 = vector.load %arg4[%get3A_174, %get3A_175] : memref<1x8192xf32, #tpu.memory_space<vmem>>, vector<1x8192xf32>
    %slice3A_177 = vector.extract_strided_slice %get3A_176 {offsets = [0, 1152], sizes = [1, 128], strides = [1, 1]} : vector<1x8192xf32> to vector<1x128xf32>
    %add3A_178 = vector.broadcast %get3A_4 : vector<256x1xf32> to vector<256x128xf32>
    %add3A_179 = vector.broadcast %slice3A_177 : vector<1x128xf32> to vector<256x128xf32>
    %add3A_180 = arith.addf %add3A_178, %add3A_179 : vector<256x128xf32>
    %mul3A_181 = arith.constant 2.000000e+00 : f32
    %mul3A_182 = vector.broadcast %mul3A_181 : f32 to vector<256x128xf32>
    %mul3A_183 = arith.mulf %mul3A_182, %slice3A_173 : vector<256x128xf32>
    %sub3A_184 = arith.subf %add3A_180, %mul3A_183 : vector<256x128xf32>
    %lt3A_185 = arith.cmpf olt, %sub3A_184, %select_n3A_168 : vector<256x128xf32>
    %select_n3A_186 = arith.select %lt3A_185, %sub3A_184, %select_n3A_168 : vector<256x128xi1>, vector<256x128xf32>
    %add3A_187 = arith.constant 1152 : i32
    %add3A_188 = vector.broadcast %add3A_187 : i32 to vector<256x128xi32>
    %add3A_189 = arith.addi %iota3A, %add3A_188 : vector<256x128xi32>
    %select_n3A_190 = arith.select %lt3A_185, %add3A_189, %select_n3A_172 : vector<256x128xi1>, vector<256x128xi32>
    %slice3A_191 = vector.extract_strided_slice %dot_general3A_154 {offsets = [0, 256], sizes = [256, 128], strides = [1, 1]} : vector<256x1024xf32> to vector<256x128xf32>
    %get3A_192 = arith.constant 0 : index
    %get3A_193 = arith.constant 0 : index
    %get3A_194 = vector.load %arg4[%get3A_192, %get3A_193] : memref<1x8192xf32, #tpu.memory_space<vmem>>, vector<1x8192xf32>
    %slice3A_195 = vector.extract_strided_slice %get3A_194 {offsets = [0, 1280], sizes = [1, 128], strides = [1, 1]} : vector<1x8192xf32> to vector<1x128xf32>
    %add3A_196 = vector.broadcast %get3A_4 : vector<256x1xf32> to vector<256x128xf32>
    %add3A_197 = vector.broadcast %slice3A_195 : vector<1x128xf32> to vector<256x128xf32>
    %add3A_198 = arith.addf %add3A_196, %add3A_197 : vector<256x128xf32>
    %mul3A_199 = arith.constant 2.000000e+00 : f32
    %mul3A_200 = vector.broadcast %mul3A_199 : f32 to vector<256x128xf32>
    %mul3A_201 = arith.mulf %mul3A_200, %slice3A_191 : vector<256x128xf32>
    %sub3A_202 = arith.subf %add3A_198, %mul3A_201 : vector<256x128xf32>
    %lt3A_203 = arith.cmpf olt, %sub3A_202, %select_n3A_186 : vector<256x128xf32>
    %select_n3A_204 = arith.select %lt3A_203, %sub3A_202, %select_n3A_186 : vector<256x128xi1>, vector<256x128xf32>
    %add3A_205 = arith.constant 1280 : i32
    %add3A_206 = vector.broadcast %add3A_205 : i32 to vector<256x128xi32>
    %add3A_207 = arith.addi %iota3A, %add3A_206 : vector<256x128xi32>
    %select_n3A_208 = arith.select %lt3A_203, %add3A_207, %select_n3A_190 : vector<256x128xi1>, vector<256x128xi32>
    %slice3A_209 = vector.extract_strided_slice %dot_general3A_154 {offsets = [0, 384], sizes = [256, 128], strides = [1, 1]} : vector<256x1024xf32> to vector<256x128xf32>
    %get3A_210 = arith.constant 0 : index
    %get3A_211 = arith.constant 0 : index
    %get3A_212 = vector.load %arg4[%get3A_210, %get3A_211] : memref<1x8192xf32, #tpu.memory_space<vmem>>, vector<1x8192xf32>
    %slice3A_213 = vector.extract_strided_slice %get3A_212 {offsets = [0, 1408], sizes = [1, 128], strides = [1, 1]} : vector<1x8192xf32> to vector<1x128xf32>
    %add3A_214 = vector.broadcast %get3A_4 : vector<256x1xf32> to vector<256x128xf32>
    %add3A_215 = vector.broadcast %slice3A_213 : vector<1x128xf32> to vector<256x128xf32>
    %add3A_216 = arith.addf %add3A_214, %add3A_215 : vector<256x128xf32>
    %mul3A_217 = arith.constant 2.000000e+00 : f32
    %mul3A_218 = vector.broadcast %mul3A_217 : f32 to vector<256x128xf32>
    %mul3A_219 = arith.mulf %mul3A_218, %slice3A_209 : vector<256x128xf32>
    %sub3A_220 = arith.subf %add3A_216, %mul3A_219 : vector<256x128xf32>
    %lt3A_221 = arith.cmpf olt, %sub3A_220, %select_n3A_204 : vector<256x128xf32>
    %select_n3A_222 = arith.select %lt3A_221, %sub3A_220, %select_n3A_204 : vector<256x128xi1>, vector<256x128xf32>
    %add3A_223 = arith.constant 1408 : i32
    %add3A_224 = vector.broadcast %add3A_223 : i32 to vector<256x128xi32>
    %add3A_225 = arith.addi %iota3A, %add3A_224 : vector<256x128xi32>
    %select_n3A_226 = arith.select %lt3A_221, %add3A_225, %select_n3A_208 : vector<256x128xi1>, vector<256x128xi32>
    %slice3A_227 = vector.extract_strided_slice %dot_general3A_154 {offsets = [0, 512], sizes = [256, 128], strides = [1, 1]} : vector<256x1024xf32> to vector<256x128xf32>
    %get3A_228 = arith.constant 0 : index
    %get3A_229 = arith.constant 0 : index
    %get3A_230 = vector.load %arg4[%get3A_228, %get3A_229] : memref<1x8192xf32, #tpu.memory_space<vmem>>, vector<1x8192xf32>
    %slice3A_231 = vector.extract_strided_slice %get3A_230 {offsets = [0, 1536], sizes = [1, 128], strides = [1, 1]} : vector<1x8192xf32> to vector<1x128xf32>
    %add3A_232 = vector.broadcast %get3A_4 : vector<256x1xf32> to vector<256x128xf32>
    %add3A_233 = vector.broadcast %slice3A_231 : vector<1x128xf32> to vector<256x128xf32>
    %add3A_234 = arith.addf %add3A_232, %add3A_233 : vector<256x128xf32>
    %mul3A_235 = arith.constant 2.000000e+00 : f32
    %mul3A_236 = vector.broadcast %mul3A_235 : f32 to vector<256x128xf32>
    %mul3A_237 = arith.mulf %mul3A_236, %slice3A_227 : vector<256x128xf32>
    %sub3A_238 = arith.subf %add3A_234, %mul3A_237 : vector<256x128xf32>
    %lt3A_239 = arith.cmpf olt, %sub3A_238, %select_n3A_222 : vector<256x128xf32>
    %select_n3A_240 = arith.select %lt3A_239, %sub3A_238, %select_n3A_222 : vector<256x128xi1>, vector<256x128xf32>
    %add3A_241 = arith.constant 1536 : i32
    %add3A_242 = vector.broadcast %add3A_241 : i32 to vector<256x128xi32>
    %add3A_243 = arith.addi %iota3A, %add3A_242 : vector<256x128xi32>
    %select_n3A_244 = arith.select %lt3A_239, %add3A_243, %select_n3A_226 : vector<256x128xi1>, vector<256x128xi32>
    %slice3A_245 = vector.extract_strided_slice %dot_general3A_154 {offsets = [0, 640], sizes = [256, 128], strides = [1, 1]} : vector<256x1024xf32> to vector<256x128xf32>
    %get3A_246 = arith.constant 0 : index
    %get3A_247 = arith.constant 0 : index
    %get3A_248 = vector.load %arg4[%get3A_246, %get3A_247] : memref<1x8192xf32, #tpu.memory_space<vmem>>, vector<1x8192xf32>
    %slice3A_249 = vector.extract_strided_slice %get3A_248 {offsets = [0, 1664], sizes = [1, 128], strides = [1, 1]} : vector<1x8192xf32> to vector<1x128xf32>
    %add3A_250 = vector.broadcast %get3A_4 : vector<256x1xf32> to vector<256x128xf32>
    %add3A_251 = vector.broadcast %slice3A_249 : vector<1x128xf32> to vector<256x128xf32>
    %add3A_252 = arith.addf %add3A_250, %add3A_251 : vector<256x128xf32>
    %mul3A_253 = arith.constant 2.000000e+00 : f32
    %mul3A_254 = vector.broadcast %mul3A_253 : f32 to vector<256x128xf32>
    %mul3A_255 = arith.mulf %mul3A_254, %slice3A_245 : vector<256x128xf32>
    %sub3A_256 = arith.subf %add3A_252, %mul3A_255 : vector<256x128xf32>
    %lt3A_257 = arith.cmpf olt, %sub3A_256, %select_n3A_240 : vector<256x128xf32>
    %select_n3A_258 = arith.select %lt3A_257, %sub3A_256, %select_n3A_240 : vector<256x128xi1>, vector<256x128xf32>
    %add3A_259 = arith.constant 1664 : i32
    %add3A_260 = vector.broadcast %add3A_259 : i32 to vector<256x128xi32>
    %add3A_261 = arith.addi %iota3A, %add3A_260 : vector<256x128xi32>
    %select_n3A_262 = arith.select %lt3A_257, %add3A_261, %select_n3A_244 : vector<256x128xi1>, vector<256x128xi32>
    %slice3A_263 = vector.extract_strided_slice %dot_general3A_154 {offsets = [0, 768], sizes = [256, 128], strides = [1, 1]} : vector<256x1024xf32> to vector<256x128xf32>
    %get3A_264 = arith.constant 0 : index
    %get3A_265 = arith.constant 0 : index
    %get3A_266 = vector.load %arg4[%get3A_264, %get3A_265] : memref<1x8192xf32, #tpu.memory_space<vmem>>, vector<1x8192xf32>
    %slice3A_267 = vector.extract_strided_slice %get3A_266 {offsets = [0, 1792], sizes = [1, 128], strides = [1, 1]} : vector<1x8192xf32> to vector<1x128xf32>
    %add3A_268 = vector.broadcast %get3A_4 : vector<256x1xf32> to vector<256x128xf32>
    %add3A_269 = vector.broadcast %slice3A_267 : vector<1x128xf32> to vector<256x128xf32>
    %add3A_270 = arith.addf %add3A_268, %add3A_269 : vector<256x128xf32>
    %mul3A_271 = arith.constant 2.000000e+00 : f32
    %mul3A_272 = vector.broadcast %mul3A_271 : f32 to vector<256x128xf32>
    %mul3A_273 = arith.mulf %mul3A_272, %slice3A_263 : vector<256x128xf32>
    %sub3A_274 = arith.subf %add3A_270, %mul3A_273 : vector<256x128xf32>
    %lt3A_275 = arith.cmpf olt, %sub3A_274, %select_n3A_258 : vector<256x128xf32>
    %select_n3A_276 = arith.select %lt3A_275, %sub3A_274, %select_n3A_258 : vector<256x128xi1>, vector<256x128xf32>
    %add3A_277 = arith.constant 1792 : i32
    %add3A_278 = vector.broadcast %add3A_277 : i32 to vector<256x128xi32>
    %add3A_279 = arith.addi %iota3A, %add3A_278 : vector<256x128xi32>
    %select_n3A_280 = arith.select %lt3A_275, %add3A_279, %select_n3A_262 : vector<256x128xi1>, vector<256x128xi32>
    %slice3A_281 = vector.extract_strided_slice %dot_general3A_154 {offsets = [0, 896], sizes = [256, 128], strides = [1, 1]} : vector<256x1024xf32> to vector<256x128xf32>
    %get3A_282 = arith.constant 0 : index
    %get3A_283 = arith.constant 0 : index
    %get3A_284 = vector.load %arg4[%get3A_282, %get3A_283] : memref<1x8192xf32, #tpu.memory_space<vmem>>, vector<1x8192xf32>
    %slice3A_285 = vector.extract_strided_slice %get3A_284 {offsets = [0, 1920], sizes = [1, 128], strides = [1, 1]} : vector<1x8192xf32> to vector<1x128xf32>
    %add3A_286 = vector.broadcast %get3A_4 : vector<256x1xf32> to vector<256x128xf32>
    %add3A_287 = vector.broadcast %slice3A_285 : vector<1x128xf32> to vector<256x128xf32>
    %add3A_288 = arith.addf %add3A_286, %add3A_287 : vector<256x128xf32>
    %mul3A_289 = arith.constant 2.000000e+00 : f32
    %mul3A_290 = vector.broadcast %mul3A_289 : f32 to vector<256x128xf32>
    %mul3A_291 = arith.mulf %mul3A_290, %slice3A_281 : vector<256x128xf32>
    %sub3A_292 = arith.subf %add3A_288, %mul3A_291 : vector<256x128xf32>
    %lt3A_293 = arith.cmpf olt, %sub3A_292, %select_n3A_276 : vector<256x128xf32>
    %select_n3A_294 = arith.select %lt3A_293, %sub3A_292, %select_n3A_276 : vector<256x128xi1>, vector<256x128xf32>
    %add3A_295 = arith.constant 1920 : i32
    %add3A_296 = vector.broadcast %add3A_295 : i32 to vector<256x128xi32>
    %add3A_297 = arith.addi %iota3A, %add3A_296 : vector<256x128xi32>
    %select_n3A_298 = arith.select %lt3A_293, %add3A_297, %select_n3A_280 : vector<256x128xi1>, vector<256x128xi32>
    %get3A_299 = arith.constant 2048 : index
    %get3A_300 = arith.constant 0 : index
    %get3A_301 = vector.load %arg2[%get3A_299, %get3A_300] : memref<8192x64xf32, #tpu.memory_space<vmem>>, vector<1024x64xf32>
    %dot_general3A_302 = arith.constant dense<0.000000e+00> : vector<256x1024xf32>
    %dot_general3A_303 = tpu.matmul %get3A_1, %get3A_301, %dot_general3A_302 {dimension_numbers = #tpu.dot_dimension_numbers<[1], [1], [0], [0], [0, 0, 1, 0], [], []>, transpose_lhs_hint = false} : vector<256x64xf32>, vector<1024x64xf32>, vector<256x1024xf32> -> vector<256x1024xf32>
    %slice3A_304 = vector.extract_strided_slice %dot_general3A_303 {offsets = [0, 0], sizes = [256, 128], strides = [1, 1]} : vector<256x1024xf32> to vector<256x128xf32>
    %get3A_305 = arith.constant 0 : index
    %get3A_306 = arith.constant 0 : index
    %get3A_307 = vector.load %arg4[%get3A_305, %get3A_306] : memref<1x8192xf32, #tpu.memory_space<vmem>>, vector<1x8192xf32>
    %slice3A_308 = vector.extract_strided_slice %get3A_307 {offsets = [0, 2048], sizes = [1, 128], strides = [1, 1]} : vector<1x8192xf32> to vector<1x128xf32>
    %add3A_309 = vector.broadcast %get3A_4 : vector<256x1xf32> to vector<256x128xf32>
    %add3A_310 = vector.broadcast %slice3A_308 : vector<1x128xf32> to vector<256x128xf32>
    %add3A_311 = arith.addf %add3A_309, %add3A_310 : vector<256x128xf32>
    %mul3A_312 = arith.constant 2.000000e+00 : f32
    %mul3A_313 = vector.broadcast %mul3A_312 : f32 to vector<256x128xf32>
    %mul3A_314 = arith.mulf %mul3A_313, %slice3A_304 : vector<256x128xf32>
    %sub3A_315 = arith.subf %add3A_311, %mul3A_314 : vector<256x128xf32>
    %lt3A_316 = arith.cmpf olt, %sub3A_315, %select_n3A_294 : vector<256x128xf32>
    %select_n3A_317 = arith.select %lt3A_316, %sub3A_315, %select_n3A_294 : vector<256x128xi1>, vector<256x128xf32>
    %add3A_318 = arith.constant 2048 : i32
    %add3A_319 = vector.broadcast %add3A_318 : i32 to vector<256x128xi32>
    %add3A_320 = arith.addi %iota3A, %add3A_319 : vector<256x128xi32>
    %select_n3A_321 = arith.select %lt3A_316, %add3A_320, %select_n3A_298 : vector<256x128xi1>, vector<256x128xi32>
    %slice3A_322 = vector.extract_strided_slice %dot_general3A_303 {offsets = [0, 128], sizes = [256, 128], strides = [1, 1]} : vector<256x1024xf32> to vector<256x128xf32>
    %get3A_323 = arith.constant 0 : index
    %get3A_324 = arith.constant 0 : index
    %get3A_325 = vector.load %arg4[%get3A_323, %get3A_324] : memref<1x8192xf32, #tpu.memory_space<vmem>>, vector<1x8192xf32>
    %slice3A_326 = vector.extract_strided_slice %get3A_325 {offsets = [0, 2176], sizes = [1, 128], strides = [1, 1]} : vector<1x8192xf32> to vector<1x128xf32>
    %add3A_327 = vector.broadcast %get3A_4 : vector<256x1xf32> to vector<256x128xf32>
    %add3A_328 = vector.broadcast %slice3A_326 : vector<1x128xf32> to vector<256x128xf32>
    %add3A_329 = arith.addf %add3A_327, %add3A_328 : vector<256x128xf32>
    %mul3A_330 = arith.constant 2.000000e+00 : f32
    %mul3A_331 = vector.broadcast %mul3A_330 : f32 to vector<256x128xf32>
    %mul3A_332 = arith.mulf %mul3A_331, %slice3A_322 : vector<256x128xf32>
    %sub3A_333 = arith.subf %add3A_329, %mul3A_332 : vector<256x128xf32>
    %lt3A_334 = arith.cmpf olt, %sub3A_333, %select_n3A_317 : vector<256x128xf32>
    %select_n3A_335 = arith.select %lt3A_334, %sub3A_333, %select_n3A_317 : vector<256x128xi1>, vector<256x128xf32>
    %add3A_336 = arith.constant 2176 : i32
    %add3A_337 = vector.broadcast %add3A_336 : i32 to vector<256x128xi32>
    %add3A_338 = arith.addi %iota3A, %add3A_337 : vector<256x128xi32>
    %select_n3A_339 = arith.select %lt3A_334, %add3A_338, %select_n3A_321 : vector<256x128xi1>, vector<256x128xi32>
    %slice3A_340 = vector.extract_strided_slice %dot_general3A_303 {offsets = [0, 256], sizes = [256, 128], strides = [1, 1]} : vector<256x1024xf32> to vector<256x128xf32>
    %get3A_341 = arith.constant 0 : index
    %get3A_342 = arith.constant 0 : index
    %get3A_343 = vector.load %arg4[%get3A_341, %get3A_342] : memref<1x8192xf32, #tpu.memory_space<vmem>>, vector<1x8192xf32>
    %slice3A_344 = vector.extract_strided_slice %get3A_343 {offsets = [0, 2304], sizes = [1, 128], strides = [1, 1]} : vector<1x8192xf32> to vector<1x128xf32>
    %add3A_345 = vector.broadcast %get3A_4 : vector<256x1xf32> to vector<256x128xf32>
    %add3A_346 = vector.broadcast %slice3A_344 : vector<1x128xf32> to vector<256x128xf32>
    %add3A_347 = arith.addf %add3A_345, %add3A_346 : vector<256x128xf32>
    %mul3A_348 = arith.constant 2.000000e+00 : f32
    %mul3A_349 = vector.broadcast %mul3A_348 : f32 to vector<256x128xf32>
    %mul3A_350 = arith.mulf %mul3A_349, %slice3A_340 : vector<256x128xf32>
    %sub3A_351 = arith.subf %add3A_347, %mul3A_350 : vector<256x128xf32>
    %lt3A_352 = arith.cmpf olt, %sub3A_351, %select_n3A_335 : vector<256x128xf32>
    %select_n3A_353 = arith.select %lt3A_352, %sub3A_351, %select_n3A_335 : vector<256x128xi1>, vector<256x128xf32>
    %add3A_354 = arith.constant 2304 : i32
    %add3A_355 = vector.broadcast %add3A_354 : i32 to vector<256x128xi32>
    %add3A_356 = arith.addi %iota3A, %add3A_355 : vector<256x128xi32>
    %select_n3A_357 = arith.select %lt3A_352, %add3A_356, %select_n3A_339 : vector<256x128xi1>, vector<256x128xi32>
    %slice3A_358 = vector.extract_strided_slice %dot_general3A_303 {offsets = [0, 384], sizes = [256, 128], strides = [1, 1]} : vector<256x1024xf32> to vector<256x128xf32>
    %get3A_359 = arith.constant 0 : index
    %get3A_360 = arith.constant 0 : index
    %get3A_361 = vector.load %arg4[%get3A_359, %get3A_360] : memref<1x8192xf32, #tpu.memory_space<vmem>>, vector<1x8192xf32>
    %slice3A_362 = vector.extract_strided_slice %get3A_361 {offsets = [0, 2432], sizes = [1, 128], strides = [1, 1]} : vector<1x8192xf32> to vector<1x128xf32>
    %add3A_363 = vector.broadcast %get3A_4 : vector<256x1xf32> to vector<256x128xf32>
    %add3A_364 = vector.broadcast %slice3A_362 : vector<1x128xf32> to vector<256x128xf32>
    %add3A_365 = arith.addf %add3A_363, %add3A_364 : vector<256x128xf32>
    %mul3A_366 = arith.constant 2.000000e+00 : f32
    %mul3A_367 = vector.broadcast %mul3A_366 : f32 to vector<256x128xf32>
    %mul3A_368 = arith.mulf %mul3A_367, %slice3A_358 : vector<256x128xf32>
    %sub3A_369 = arith.subf %add3A_365, %mul3A_368 : vector<256x128xf32>
    %lt3A_370 = arith.cmpf olt, %sub3A_369, %select_n3A_353 : vector<256x128xf32>
    %select_n3A_371 = arith.select %lt3A_370, %sub3A_369, %select_n3A_353 : vector<256x128xi1>, vector<256x128xf32>
    %add3A_372 = arith.constant 2432 : i32
    %add3A_373 = vector.broadcast %add3A_372 : i32 to vector<256x128xi32>
    %add3A_374 = arith.addi %iota3A, %add3A_373 : vector<256x128xi32>
    %select_n3A_375 = arith.select %lt3A_370, %add3A_374, %select_n3A_357 : vector<256x128xi1>, vector<256x128xi32>
    %slice3A_376 = vector.extract_strided_slice %dot_general3A_303 {offsets = [0, 512], sizes = [256, 128], strides = [1, 1]} : vector<256x1024xf32> to vector<256x128xf32>
    %get3A_377 = arith.constant 0 : index
    %get3A_378 = arith.constant 0 : index
    %get3A_379 = vector.load %arg4[%get3A_377, %get3A_378] : memref<1x8192xf32, #tpu.memory_space<vmem>>, vector<1x8192xf32>
    %slice3A_380 = vector.extract_strided_slice %get3A_379 {offsets = [0, 2560], sizes = [1, 128], strides = [1, 1]} : vector<1x8192xf32> to vector<1x128xf32>
    %add3A_381 = vector.broadcast %get3A_4 : vector<256x1xf32> to vector<256x128xf32>
    %add3A_382 = vector.broadcast %slice3A_380 : vector<1x128xf32> to vector<256x128xf32>
    %add3A_383 = arith.addf %add3A_381, %add3A_382 : vector<256x128xf32>
    %mul3A_384 = arith.constant 2.000000e+00 : f32
    %mul3A_385 = vector.broadcast %mul3A_384 : f32 to vector<256x128xf32>
    %mul3A_386 = arith.mulf %mul3A_385, %slice3A_376 : vector<256x128xf32>
    %sub3A_387 = arith.subf %add3A_383, %mul3A_386 : vector<256x128xf32>
    %lt3A_388 = arith.cmpf olt, %sub3A_387, %select_n3A_371 : vector<256x128xf32>
    %select_n3A_389 = arith.select %lt3A_388, %sub3A_387, %select_n3A_371 : vector<256x128xi1>, vector<256x128xf32>
    %add3A_390 = arith.constant 2560 : i32
    %add3A_391 = vector.broadcast %add3A_390 : i32 to vector<256x128xi32>
    %add3A_392 = arith.addi %iota3A, %add3A_391 : vector<256x128xi32>
    %select_n3A_393 = arith.select %lt3A_388, %add3A_392, %select_n3A_375 : vector<256x128xi1>, vector<256x128xi32>
    %slice3A_394 = vector.extract_strided_slice %dot_general3A_303 {offsets = [0, 640], sizes = [256, 128], strides = [1, 1]} : vector<256x1024xf32> to vector<256x128xf32>
    %get3A_395 = arith.constant 0 : index
    %get3A_396 = arith.constant 0 : index
    %get3A_397 = vector.load %arg4[%get3A_395, %get3A_396] : memref<1x8192xf32, #tpu.memory_space<vmem>>, vector<1x8192xf32>
    %slice3A_398 = vector.extract_strided_slice %get3A_397 {offsets = [0, 2688], sizes = [1, 128], strides = [1, 1]} : vector<1x8192xf32> to vector<1x128xf32>
    %add3A_399 = vector.broadcast %get3A_4 : vector<256x1xf32> to vector<256x128xf32>
    %add3A_400 = vector.broadcast %slice3A_398 : vector<1x128xf32> to vector<256x128xf32>
    %add3A_401 = arith.addf %add3A_399, %add3A_400 : vector<256x128xf32>
    %mul3A_402 = arith.constant 2.000000e+00 : f32
    %mul3A_403 = vector.broadcast %mul3A_402 : f32 to vector<256x128xf32>
    %mul3A_404 = arith.mulf %mul3A_403, %slice3A_394 : vector<256x128xf32>
    %sub3A_405 = arith.subf %add3A_401, %mul3A_404 : vector<256x128xf32>
    %lt3A_406 = arith.cmpf olt, %sub3A_405, %select_n3A_389 : vector<256x128xf32>
    %select_n3A_407 = arith.select %lt3A_406, %sub3A_405, %select_n3A_389 : vector<256x128xi1>, vector<256x128xf32>
    %add3A_408 = arith.constant 2688 : i32
    %add3A_409 = vector.broadcast %add3A_408 : i32 to vector<256x128xi32>
    %add3A_410 = arith.addi %iota3A, %add3A_409 : vector<256x128xi32>
    %select_n3A_411 = arith.select %lt3A_406, %add3A_410, %select_n3A_393 : vector<256x128xi1>, vector<256x128xi32>
    %slice3A_412 = vector.extract_strided_slice %dot_general3A_303 {offsets = [0, 768], sizes = [256, 128], strides = [1, 1]} : vector<256x1024xf32> to vector<256x128xf32>
    %get3A_413 = arith.constant 0 : index
    %get3A_414 = arith.constant 0 : index
    %get3A_415 = vector.load %arg4[%get3A_413, %get3A_414] : memref<1x8192xf32, #tpu.memory_space<vmem>>, vector<1x8192xf32>
    %slice3A_416 = vector.extract_strided_slice %get3A_415 {offsets = [0, 2816], sizes = [1, 128], strides = [1, 1]} : vector<1x8192xf32> to vector<1x128xf32>
    %add3A_417 = vector.broadcast %get3A_4 : vector<256x1xf32> to vector<256x128xf32>
    %add3A_418 = vector.broadcast %slice3A_416 : vector<1x128xf32> to vector<256x128xf32>
    %add3A_419 = arith.addf %add3A_417, %add3A_418 : vector<256x128xf32>
    %mul3A_420 = arith.constant 2.000000e+00 : f32
    %mul3A_421 = vector.broadcast %mul3A_420 : f32 to vector<256x128xf32>
    %mul3A_422 = arith.mulf %mul3A_421, %slice3A_412 : vector<256x128xf32>
    %sub3A_423 = arith.subf %add3A_419, %mul3A_422 : vector<256x128xf32>
    %lt3A_424 = arith.cmpf olt, %sub3A_423, %select_n3A_407 : vector<256x128xf32>
    %select_n3A_425 = arith.select %lt3A_424, %sub3A_423, %select_n3A_407 : vector<256x128xi1>, vector<256x128xf32>
    %add3A_426 = arith.constant 2816 : i32
    %add3A_427 = vector.broadcast %add3A_426 : i32 to vector<256x128xi32>
    %add3A_428 = arith.addi %iota3A, %add3A_427 : vector<256x128xi32>
    %select_n3A_429 = arith.select %lt3A_424, %add3A_428, %select_n3A_411 : vector<256x128xi1>, vector<256x128xi32>
    %slice3A_430 = vector.extract_strided_slice %dot_general3A_303 {offsets = [0, 896], sizes = [256, 128], strides = [1, 1]} : vector<256x1024xf32> to vector<256x128xf32>
    %get3A_431 = arith.constant 0 : index
    %get3A_432 = arith.constant 0 : index
    %get3A_433 = vector.load %arg4[%get3A_431, %get3A_432] : memref<1x8192xf32, #tpu.memory_space<vmem>>, vector<1x8192xf32>
    %slice3A_434 = vector.extract_strided_slice %get3A_433 {offsets = [0, 2944], sizes = [1, 128], strides = [1, 1]} : vector<1x8192xf32> to vector<1x128xf32>
    %add3A_435 = vector.broadcast %get3A_4 : vector<256x1xf32> to vector<256x128xf32>
    %add3A_436 = vector.broadcast %slice3A_434 : vector<1x128xf32> to vector<256x128xf32>
    %add3A_437 = arith.addf %add3A_435, %add3A_436 : vector<256x128xf32>
    %mul3A_438 = arith.constant 2.000000e+00 : f32
    %mul3A_439 = vector.broadcast %mul3A_438 : f32 to vector<256x128xf32>
    %mul3A_440 = arith.mulf %mul3A_439, %slice3A_430 : vector<256x128xf32>
    %sub3A_441 = arith.subf %add3A_437, %mul3A_440 : vector<256x128xf32>
    %lt3A_442 = arith.cmpf olt, %sub3A_441, %select_n3A_425 : vector<256x128xf32>
    %select_n3A_443 = arith.select %lt3A_442, %sub3A_441, %select_n3A_425 : vector<256x128xi1>, vector<256x128xf32>
    %add3A_444 = arith.constant 2944 : i32
    %add3A_445 = vector.broadcast %add3A_444 : i32 to vector<256x128xi32>
    %add3A_446 = arith.addi %iota3A, %add3A_445 : vector<256x128xi32>
    %select_n3A_447 = arith.select %lt3A_442, %add3A_446, %select_n3A_429 : vector<256x128xi1>, vector<256x128xi32>
    %get3A_448 = arith.constant 3072 : index
    %get3A_449 = arith.constant 0 : index
    %get3A_450 = vector.load %arg2[%get3A_448, %get3A_449] : memref<8192x64xf32, #tpu.memory_space<vmem>>, vector<1024x64xf32>
    %dot_general3A_451 = arith.constant dense<0.000000e+00> : vector<256x1024xf32>
    %dot_general3A_452 = tpu.matmul %get3A_1, %get3A_450, %dot_general3A_451 {dimension_numbers = #tpu.dot_dimension_numbers<[1], [1], [0], [0], [0, 0, 1, 0], [], []>, transpose_lhs_hint = false} : vector<256x64xf32>, vector<1024x64xf32>, vector<256x1024xf32> -> vector<256x1024xf32>
    %slice3A_453 = vector.extract_strided_slice %dot_general3A_452 {offsets = [0, 0], sizes = [256, 128], strides = [1, 1]} : vector<256x1024xf32> to vector<256x128xf32>
    %get3A_454 = arith.constant 0 : index
    %get3A_455 = arith.constant 0 : index
    %get3A_456 = vector.load %arg4[%get3A_454, %get3A_455] : memref<1x8192xf32, #tpu.memory_space<vmem>>, vector<1x8192xf32>
    %slice3A_457 = vector.extract_strided_slice %get3A_456 {offsets = [0, 3072], sizes = [1, 128], strides = [1, 1]} : vector<1x8192xf32> to vector<1x128xf32>
    %add3A_458 = vector.broadcast %get3A_4 : vector<256x1xf32> to vector<256x128xf32>
    %add3A_459 = vector.broadcast %slice3A_457 : vector<1x128xf32> to vector<256x128xf32>
    %add3A_460 = arith.addf %add3A_458, %add3A_459 : vector<256x128xf32>
    %mul3A_461 = arith.constant 2.000000e+00 : f32
    %mul3A_462 = vector.broadcast %mul3A_461 : f32 to vector<256x128xf32>
    %mul3A_463 = arith.mulf %mul3A_462, %slice3A_453 : vector<256x128xf32>
    %sub3A_464 = arith.subf %add3A_460, %mul3A_463 : vector<256x128xf32>
    %lt3A_465 = arith.cmpf olt, %sub3A_464, %select_n3A_443 : vector<256x128xf32>
    %select_n3A_466 = arith.select %lt3A_465, %sub3A_464, %select_n3A_443 : vector<256x128xi1>, vector<256x128xf32>
    %add3A_467 = arith.constant 3072 : i32
    %add3A_468 = vector.broadcast %add3A_467 : i32 to vector<256x128xi32>
    %add3A_469 = arith.addi %iota3A, %add3A_468 : vector<256x128xi32>
    %select_n3A_470 = arith.select %lt3A_465, %add3A_469, %select_n3A_447 : vector<256x128xi1>, vector<256x128xi32>
    %slice3A_471 = vector.extract_strided_slice %dot_general3A_452 {offsets = [0, 128], sizes = [256, 128], strides = [1, 1]} : vector<256x1024xf32> to vector<256x128xf32>
    %get3A_472 = arith.constant 0 : index
    %get3A_473 = arith.constant 0 : index
    %get3A_474 = vector.load %arg4[%get3A_472, %get3A_473] : memref<1x8192xf32, #tpu.memory_space<vmem>>, vector<1x8192xf32>
    %slice3A_475 = vector.extract_strided_slice %get3A_474 {offsets = [0, 3200], sizes = [1, 128], strides = [1, 1]} : vector<1x8192xf32> to vector<1x128xf32>
    %add3A_476 = vector.broadcast %get3A_4 : vector<256x1xf32> to vector<256x128xf32>
    %add3A_477 = vector.broadcast %slice3A_475 : vector<1x128xf32> to vector<256x128xf32>
    %add3A_478 = arith.addf %add3A_476, %add3A_477 : vector<256x128xf32>
    %mul3A_479 = arith.constant 2.000000e+00 : f32
    %mul3A_480 = vector.broadcast %mul3A_479 : f32 to vector<256x128xf32>
    %mul3A_481 = arith.mulf %mul3A_480, %slice3A_471 : vector<256x128xf32>
    %sub3A_482 = arith.subf %add3A_478, %mul3A_481 : vector<256x128xf32>
    %lt3A_483 = arith.cmpf olt, %sub3A_482, %select_n3A_466 : vector<256x128xf32>
    %select_n3A_484 = arith.select %lt3A_483, %sub3A_482, %select_n3A_466 : vector<256x128xi1>, vector<256x128xf32>
    %add3A_485 = arith.constant 3200 : i32
    %add3A_486 = vector.broadcast %add3A_485 : i32 to vector<256x128xi32>
    %add3A_487 = arith.addi %iota3A, %add3A_486 : vector<256x128xi32>
    %select_n3A_488 = arith.select %lt3A_483, %add3A_487, %select_n3A_470 : vector<256x128xi1>, vector<256x128xi32>
    %slice3A_489 = vector.extract_strided_slice %dot_general3A_452 {offsets = [0, 256], sizes = [256, 128], strides = [1, 1]} : vector<256x1024xf32> to vector<256x128xf32>
    %get3A_490 = arith.constant 0 : index
    %get3A_491 = arith.constant 0 : index
    %get3A_492 = vector.load %arg4[%get3A_490, %get3A_491] : memref<1x8192xf32, #tpu.memory_space<vmem>>, vector<1x8192xf32>
    %slice3A_493 = vector.extract_strided_slice %get3A_492 {offsets = [0, 3328], sizes = [1, 128], strides = [1, 1]} : vector<1x8192xf32> to vector<1x128xf32>
    %add3A_494 = vector.broadcast %get3A_4 : vector<256x1xf32> to vector<256x128xf32>
    %add3A_495 = vector.broadcast %slice3A_493 : vector<1x128xf32> to vector<256x128xf32>
    %add3A_496 = arith.addf %add3A_494, %add3A_495 : vector<256x128xf32>
    %mul3A_497 = arith.constant 2.000000e+00 : f32
    %mul3A_498 = vector.broadcast %mul3A_497 : f32 to vector<256x128xf32>
    %mul3A_499 = arith.mulf %mul3A_498, %slice3A_489 : vector<256x128xf32>
    %sub3A_500 = arith.subf %add3A_496, %mul3A_499 : vector<256x128xf32>
    %lt3A_501 = arith.cmpf olt, %sub3A_500, %select_n3A_484 : vector<256x128xf32>
    %select_n3A_502 = arith.select %lt3A_501, %sub3A_500, %select_n3A_484 : vector<256x128xi1>, vector<256x128xf32>
    %add3A_503 = arith.constant 3328 : i32
    %add3A_504 = vector.broadcast %add3A_503 : i32 to vector<256x128xi32>
    %add3A_505 = arith.addi %iota3A, %add3A_504 : vector<256x128xi32>
    %select_n3A_506 = arith.select %lt3A_501, %add3A_505, %select_n3A_488 : vector<256x128xi1>, vector<256x128xi32>
    %slice3A_507 = vector.extract_strided_slice %dot_general3A_452 {offsets = [0, 384], sizes = [256, 128], strides = [1, 1]} : vector<256x1024xf32> to vector<256x128xf32>
    %get3A_508 = arith.constant 0 : index
    %get3A_509 = arith.constant 0 : index
    %get3A_510 = vector.load %arg4[%get3A_508, %get3A_509] : memref<1x8192xf32, #tpu.memory_space<vmem>>, vector<1x8192xf32>
    %slice3A_511 = vector.extract_strided_slice %get3A_510 {offsets = [0, 3456], sizes = [1, 128], strides = [1, 1]} : vector<1x8192xf32> to vector<1x128xf32>
    %add3A_512 = vector.broadcast %get3A_4 : vector<256x1xf32> to vector<256x128xf32>
    %add3A_513 = vector.broadcast %slice3A_511 : vector<1x128xf32> to vector<256x128xf32>
    %add3A_514 = arith.addf %add3A_512, %add3A_513 : vector<256x128xf32>
    %mul3A_515 = arith.constant 2.000000e+00 : f32
    %mul3A_516 = vector.broadcast %mul3A_515 : f32 to vector<256x128xf32>
    %mul3A_517 = arith.mulf %mul3A_516, %slice3A_507 : vector<256x128xf32>
    %sub3A_518 = arith.subf %add3A_514, %mul3A_517 : vector<256x128xf32>
    %lt3A_519 = arith.cmpf olt, %sub3A_518, %select_n3A_502 : vector<256x128xf32>
    %select_n3A_520 = arith.select %lt3A_519, %sub3A_518, %select_n3A_502 : vector<256x128xi1>, vector<256x128xf32>
    %add3A_521 = arith.constant 3456 : i32
    %add3A_522 = vector.broadcast %add3A_521 : i32 to vector<256x128xi32>
    %add3A_523 = arith.addi %iota3A, %add3A_522 : vector<256x128xi32>
    %select_n3A_524 = arith.select %lt3A_519, %add3A_523, %select_n3A_506 : vector<256x128xi1>, vector<256x128xi32>
    %slice3A_525 = vector.extract_strided_slice %dot_general3A_452 {offsets = [0, 512], sizes = [256, 128], strides = [1, 1]} : vector<256x1024xf32> to vector<256x128xf32>
    %get3A_526 = arith.constant 0 : index
    %get3A_527 = arith.constant 0 : index
    %get3A_528 = vector.load %arg4[%get3A_526, %get3A_527] : memref<1x8192xf32, #tpu.memory_space<vmem>>, vector<1x8192xf32>
    %slice3A_529 = vector.extract_strided_slice %get3A_528 {offsets = [0, 3584], sizes = [1, 128], strides = [1, 1]} : vector<1x8192xf32> to vector<1x128xf32>
    %add3A_530 = vector.broadcast %get3A_4 : vector<256x1xf32> to vector<256x128xf32>
    %add3A_531 = vector.broadcast %slice3A_529 : vector<1x128xf32> to vector<256x128xf32>
    %add3A_532 = arith.addf %add3A_530, %add3A_531 : vector<256x128xf32>
    %mul3A_533 = arith.constant 2.000000e+00 : f32
    %mul3A_534 = vector.broadcast %mul3A_533 : f32 to vector<256x128xf32>
    %mul3A_535 = arith.mulf %mul3A_534, %slice3A_525 : vector<256x128xf32>
    %sub3A_536 = arith.subf %add3A_532, %mul3A_535 : vector<256x128xf32>
    %lt3A_537 = arith.cmpf olt, %sub3A_536, %select_n3A_520 : vector<256x128xf32>
    %select_n3A_538 = arith.select %lt3A_537, %sub3A_536, %select_n3A_520 : vector<256x128xi1>, vector<256x128xf32>
    %add3A_539 = arith.constant 3584 : i32
    %add3A_540 = vector.broadcast %add3A_539 : i32 to vector<256x128xi32>
    %add3A_541 = arith.addi %iota3A, %add3A_540 : vector<256x128xi32>
    %select_n3A_542 = arith.select %lt3A_537, %add3A_541, %select_n3A_524 : vector<256x128xi1>, vector<256x128xi32>
    %slice3A_543 = vector.extract_strided_slice %dot_general3A_452 {offsets = [0, 640], sizes = [256, 128], strides = [1, 1]} : vector<256x1024xf32> to vector<256x128xf32>
    %get3A_544 = arith.constant 0 : index
    %get3A_545 = arith.constant 0 : index
    %get3A_546 = vector.load %arg4[%get3A_544, %get3A_545] : memref<1x8192xf32, #tpu.memory_space<vmem>>, vector<1x8192xf32>
    %slice3A_547 = vector.extract_strided_slice %get3A_546 {offsets = [0, 3712], sizes = [1, 128], strides = [1, 1]} : vector<1x8192xf32> to vector<1x128xf32>
    %add3A_548 = vector.broadcast %get3A_4 : vector<256x1xf32> to vector<256x128xf32>
    %add3A_549 = vector.broadcast %slice3A_547 : vector<1x128xf32> to vector<256x128xf32>
    %add3A_550 = arith.addf %add3A_548, %add3A_549 : vector<256x128xf32>
    %mul3A_551 = arith.constant 2.000000e+00 : f32
    %mul3A_552 = vector.broadcast %mul3A_551 : f32 to vector<256x128xf32>
    %mul3A_553 = arith.mulf %mul3A_552, %slice3A_543 : vector<256x128xf32>
    %sub3A_554 = arith.subf %add3A_550, %mul3A_553 : vector<256x128xf32>
    %lt3A_555 = arith.cmpf olt, %sub3A_554, %select_n3A_538 : vector<256x128xf32>
    %select_n3A_556 = arith.select %lt3A_555, %sub3A_554, %select_n3A_538 : vector<256x128xi1>, vector<256x128xf32>
    %add3A_557 = arith.constant 3712 : i32
    %add3A_558 = vector.broadcast %add3A_557 : i32 to vector<256x128xi32>
    %add3A_559 = arith.addi %iota3A, %add3A_558 : vector<256x128xi32>
    %select_n3A_560 = arith.select %lt3A_555, %add3A_559, %select_n3A_542 : vector<256x128xi1>, vector<256x128xi32>
    %slice3A_561 = vector.extract_strided_slice %dot_general3A_452 {offsets = [0, 768], sizes = [256, 128], strides = [1, 1]} : vector<256x1024xf32> to vector<256x128xf32>
    %get3A_562 = arith.constant 0 : index
    %get3A_563 = arith.constant 0 : index
    %get3A_564 = vector.load %arg4[%get3A_562, %get3A_563] : memref<1x8192xf32, #tpu.memory_space<vmem>>, vector<1x8192xf32>
    %slice3A_565 = vector.extract_strided_slice %get3A_564 {offsets = [0, 3840], sizes = [1, 128], strides = [1, 1]} : vector<1x8192xf32> to vector<1x128xf32>
    %add3A_566 = vector.broadcast %get3A_4 : vector<256x1xf32> to vector<256x128xf32>
    %add3A_567 = vector.broadcast %slice3A_565 : vector<1x128xf32> to vector<256x128xf32>
    %add3A_568 = arith.addf %add3A_566, %add3A_567 : vector<256x128xf32>
    %mul3A_569 = arith.constant 2.000000e+00 : f32
    %mul3A_570 = vector.broadcast %mul3A_569 : f32 to vector<256x128xf32>
    %mul3A_571 = arith.mulf %mul3A_570, %slice3A_561 : vector<256x128xf32>
    %sub3A_572 = arith.subf %add3A_568, %mul3A_571 : vector<256x128xf32>
    %lt3A_573 = arith.cmpf olt, %sub3A_572, %select_n3A_556 : vector<256x128xf32>
    %select_n3A_574 = arith.select %lt3A_573, %sub3A_572, %select_n3A_556 : vector<256x128xi1>, vector<256x128xf32>
    %add3A_575 = arith.constant 3840 : i32
    %add3A_576 = vector.broadcast %add3A_575 : i32 to vector<256x128xi32>
    %add3A_577 = arith.addi %iota3A, %add3A_576 : vector<256x128xi32>
    %select_n3A_578 = arith.select %lt3A_573, %add3A_577, %select_n3A_560 : vector<256x128xi1>, vector<256x128xi32>
    %slice3A_579 = vector.extract_strided_slice %dot_general3A_452 {offsets = [0, 896], sizes = [256, 128], strides = [1, 1]} : vector<256x1024xf32> to vector<256x128xf32>
    %get3A_580 = arith.constant 0 : index
    %get3A_581 = arith.constant 0 : index
    %get3A_582 = vector.load %arg4[%get3A_580, %get3A_581] : memref<1x8192xf32, #tpu.memory_space<vmem>>, vector<1x8192xf32>
    %slice3A_583 = vector.extract_strided_slice %get3A_582 {offsets = [0, 3968], sizes = [1, 128], strides = [1, 1]} : vector<1x8192xf32> to vector<1x128xf32>
    %add3A_584 = vector.broadcast %get3A_4 : vector<256x1xf32> to vector<256x128xf32>
    %add3A_585 = vector.broadcast %slice3A_583 : vector<1x128xf32> to vector<256x128xf32>
    %add3A_586 = arith.addf %add3A_584, %add3A_585 : vector<256x128xf32>
    %mul3A_587 = arith.constant 2.000000e+00 : f32
    %mul3A_588 = vector.broadcast %mul3A_587 : f32 to vector<256x128xf32>
    %mul3A_589 = arith.mulf %mul3A_588, %slice3A_579 : vector<256x128xf32>
    %sub3A_590 = arith.subf %add3A_586, %mul3A_589 : vector<256x128xf32>
    %lt3A_591 = arith.cmpf olt, %sub3A_590, %select_n3A_574 : vector<256x128xf32>
    %select_n3A_592 = arith.select %lt3A_591, %sub3A_590, %select_n3A_574 : vector<256x128xi1>, vector<256x128xf32>
    %add3A_593 = arith.constant 3968 : i32
    %add3A_594 = vector.broadcast %add3A_593 : i32 to vector<256x128xi32>
    %add3A_595 = arith.addi %iota3A, %add3A_594 : vector<256x128xi32>
    %select_n3A_596 = arith.select %lt3A_591, %add3A_595, %select_n3A_578 : vector<256x128xi1>, vector<256x128xi32>
    %get3A_597 = arith.constant 4096 : index
    %get3A_598 = arith.constant 0 : index
    %get3A_599 = vector.load %arg2[%get3A_597, %get3A_598] : memref<8192x64xf32, #tpu.memory_space<vmem>>, vector<1024x64xf32>
    %dot_general3A_600 = arith.constant dense<0.000000e+00> : vector<256x1024xf32>
    %dot_general3A_601 = tpu.matmul %get3A_1, %get3A_599, %dot_general3A_600 {dimension_numbers = #tpu.dot_dimension_numbers<[1], [1], [0], [0], [0, 0, 1, 0], [], []>, transpose_lhs_hint = false} : vector<256x64xf32>, vector<1024x64xf32>, vector<256x1024xf32> -> vector<256x1024xf32>
    %slice3A_602 = vector.extract_strided_slice %dot_general3A_601 {offsets = [0, 0], sizes = [256, 128], strides = [1, 1]} : vector<256x1024xf32> to vector<256x128xf32>
    %get3A_603 = arith.constant 0 : index
    %get3A_604 = arith.constant 0 : index
    %get3A_605 = vector.load %arg4[%get3A_603, %get3A_604] : memref<1x8192xf32, #tpu.memory_space<vmem>>, vector<1x8192xf32>
    %slice3A_606 = vector.extract_strided_slice %get3A_605 {offsets = [0, 4096], sizes = [1, 128], strides = [1, 1]} : vector<1x8192xf32> to vector<1x128xf32>
    %add3A_607 = vector.broadcast %get3A_4 : vector<256x1xf32> to vector<256x128xf32>
    %add3A_608 = vector.broadcast %slice3A_606 : vector<1x128xf32> to vector<256x128xf32>
    %add3A_609 = arith.addf %add3A_607, %add3A_608 : vector<256x128xf32>
    %mul3A_610 = arith.constant 2.000000e+00 : f32
    %mul3A_611 = vector.broadcast %mul3A_610 : f32 to vector<256x128xf32>
    %mul3A_612 = arith.mulf %mul3A_611, %slice3A_602 : vector<256x128xf32>
    %sub3A_613 = arith.subf %add3A_609, %mul3A_612 : vector<256x128xf32>
    %lt3A_614 = arith.cmpf olt, %sub3A_613, %select_n3A_592 : vector<256x128xf32>
    %select_n3A_615 = arith.select %lt3A_614, %sub3A_613, %select_n3A_592 : vector<256x128xi1>, vector<256x128xf32>
    %add3A_616 = arith.constant 4096 : i32
    %add3A_617 = vector.broadcast %add3A_616 : i32 to vector<256x128xi32>
    %add3A_618 = arith.addi %iota3A, %add3A_617 : vector<256x128xi32>
    %select_n3A_619 = arith.select %lt3A_614, %add3A_618, %select_n3A_596 : vector<256x128xi1>, vector<256x128xi32>
    %slice3A_620 = vector.extract_strided_slice %dot_general3A_601 {offsets = [0, 128], sizes = [256, 128], strides = [1, 1]} : vector<256x1024xf32> to vector<256x128xf32>
    %get3A_621 = arith.constant 0 : index
    %get3A_622 = arith.constant 0 : index
    %get3A_623 = vector.load %arg4[%get3A_621, %get3A_622] : memref<1x8192xf32, #tpu.memory_space<vmem>>, vector<1x8192xf32>
    %slice3A_624 = vector.extract_strided_slice %get3A_623 {offsets = [0, 4224], sizes = [1, 128], strides = [1, 1]} : vector<1x8192xf32> to vector<1x128xf32>
    %add3A_625 = vector.broadcast %get3A_4 : vector<256x1xf32> to vector<256x128xf32>
    %add3A_626 = vector.broadcast %slice3A_624 : vector<1x128xf32> to vector<256x128xf32>
    %add3A_627 = arith.addf %add3A_625, %add3A_626 : vector<256x128xf32>
    %mul3A_628 = arith.constant 2.000000e+00 : f32
    %mul3A_629 = vector.broadcast %mul3A_628 : f32 to vector<256x128xf32>
    %mul3A_630 = arith.mulf %mul3A_629, %slice3A_620 : vector<256x128xf32>
    %sub3A_631 = arith.subf %add3A_627, %mul3A_630 : vector<256x128xf32>
    %lt3A_632 = arith.cmpf olt, %sub3A_631, %select_n3A_615 : vector<256x128xf32>
    %select_n3A_633 = arith.select %lt3A_632, %sub3A_631, %select_n3A_615 : vector<256x128xi1>, vector<256x128xf32>
    %add3A_634 = arith.constant 4224 : i32
    %add3A_635 = vector.broadcast %add3A_634 : i32 to vector<256x128xi32>
    %add3A_636 = arith.addi %iota3A, %add3A_635 : vector<256x128xi32>
    %select_n3A_637 = arith.select %lt3A_632, %add3A_636, %select_n3A_619 : vector<256x128xi1>, vector<256x128xi32>
    %slice3A_638 = vector.extract_strided_slice %dot_general3A_601 {offsets = [0, 256], sizes = [256, 128], strides = [1, 1]} : vector<256x1024xf32> to vector<256x128xf32>
    %get3A_639 = arith.constant 0 : index
    %get3A_640 = arith.constant 0 : index
    %get3A_641 = vector.load %arg4[%get3A_639, %get3A_640] : memref<1x8192xf32, #tpu.memory_space<vmem>>, vector<1x8192xf32>
    %slice3A_642 = vector.extract_strided_slice %get3A_641 {offsets = [0, 4352], sizes = [1, 128], strides = [1, 1]} : vector<1x8192xf32> to vector<1x128xf32>
    %add3A_643 = vector.broadcast %get3A_4 : vector<256x1xf32> to vector<256x128xf32>
    %add3A_644 = vector.broadcast %slice3A_642 : vector<1x128xf32> to vector<256x128xf32>
    %add3A_645 = arith.addf %add3A_643, %add3A_644 : vector<256x128xf32>
    %mul3A_646 = arith.constant 2.000000e+00 : f32
    %mul3A_647 = vector.broadcast %mul3A_646 : f32 to vector<256x128xf32>
    %mul3A_648 = arith.mulf %mul3A_647, %slice3A_638 : vector<256x128xf32>
    %sub3A_649 = arith.subf %add3A_645, %mul3A_648 : vector<256x128xf32>
    %lt3A_650 = arith.cmpf olt, %sub3A_649, %select_n3A_633 : vector<256x128xf32>
    %select_n3A_651 = arith.select %lt3A_650, %sub3A_649, %select_n3A_633 : vector<256x128xi1>, vector<256x128xf32>
    %add3A_652 = arith.constant 4352 : i32
    %add3A_653 = vector.broadcast %add3A_652 : i32 to vector<256x128xi32>
    %add3A_654 = arith.addi %iota3A, %add3A_653 : vector<256x128xi32>
    %select_n3A_655 = arith.select %lt3A_650, %add3A_654, %select_n3A_637 : vector<256x128xi1>, vector<256x128xi32>
    %slice3A_656 = vector.extract_strided_slice %dot_general3A_601 {offsets = [0, 384], sizes = [256, 128], strides = [1, 1]} : vector<256x1024xf32> to vector<256x128xf32>
    %get3A_657 = arith.constant 0 : index
    %get3A_658 = arith.constant 0 : index
    %get3A_659 = vector.load %arg4[%get3A_657, %get3A_658] : memref<1x8192xf32, #tpu.memory_space<vmem>>, vector<1x8192xf32>
    %slice3A_660 = vector.extract_strided_slice %get3A_659 {offsets = [0, 4480], sizes = [1, 128], strides = [1, 1]} : vector<1x8192xf32> to vector<1x128xf32>
    %add3A_661 = vector.broadcast %get3A_4 : vector<256x1xf32> to vector<256x128xf32>
    %add3A_662 = vector.broadcast %slice3A_660 : vector<1x128xf32> to vector<256x128xf32>
    %add3A_663 = arith.addf %add3A_661, %add3A_662 : vector<256x128xf32>
    %mul3A_664 = arith.constant 2.000000e+00 : f32
    %mul3A_665 = vector.broadcast %mul3A_664 : f32 to vector<256x128xf32>
    %mul3A_666 = arith.mulf %mul3A_665, %slice3A_656 : vector<256x128xf32>
    %sub3A_667 = arith.subf %add3A_663, %mul3A_666 : vector<256x128xf32>
    %lt3A_668 = arith.cmpf olt, %sub3A_667, %select_n3A_651 : vector<256x128xf32>
    %select_n3A_669 = arith.select %lt3A_668, %sub3A_667, %select_n3A_651 : vector<256x128xi1>, vector<256x128xf32>
    %add3A_670 = arith.constant 4480 : i32
    %add3A_671 = vector.broadcast %add3A_670 : i32 to vector<256x128xi32>
    %add3A_672 = arith.addi %iota3A, %add3A_671 : vector<256x128xi32>
    %select_n3A_673 = arith.select %lt3A_668, %add3A_672, %select_n3A_655 : vector<256x128xi1>, vector<256x128xi32>
    %slice3A_674 = vector.extract_strided_slice %dot_general3A_601 {offsets = [0, 512], sizes = [256, 128], strides = [1, 1]} : vector<256x1024xf32> to vector<256x128xf32>
    %get3A_675 = arith.constant 0 : index
    %get3A_676 = arith.constant 0 : index
    %get3A_677 = vector.load %arg4[%get3A_675, %get3A_676] : memref<1x8192xf32, #tpu.memory_space<vmem>>, vector<1x8192xf32>
    %slice3A_678 = vector.extract_strided_slice %get3A_677 {offsets = [0, 4608], sizes = [1, 128], strides = [1, 1]} : vector<1x8192xf32> to vector<1x128xf32>
    %add3A_679 = vector.broadcast %get3A_4 : vector<256x1xf32> to vector<256x128xf32>
    %add3A_680 = vector.broadcast %slice3A_678 : vector<1x128xf32> to vector<256x128xf32>
    %add3A_681 = arith.addf %add3A_679, %add3A_680 : vector<256x128xf32>
    %mul3A_682 = arith.constant 2.000000e+00 : f32
    %mul3A_683 = vector.broadcast %mul3A_682 : f32 to vector<256x128xf32>
    %mul3A_684 = arith.mulf %mul3A_683, %slice3A_674 : vector<256x128xf32>
    %sub3A_685 = arith.subf %add3A_681, %mul3A_684 : vector<256x128xf32>
    %lt3A_686 = arith.cmpf olt, %sub3A_685, %select_n3A_669 : vector<256x128xf32>
    %select_n3A_687 = arith.select %lt3A_686, %sub3A_685, %select_n3A_669 : vector<256x128xi1>, vector<256x128xf32>
    %add3A_688 = arith.constant 4608 : i32
    %add3A_689 = vector.broadcast %add3A_688 : i32 to vector<256x128xi32>
    %add3A_690 = arith.addi %iota3A, %add3A_689 : vector<256x128xi32>
    %select_n3A_691 = arith.select %lt3A_686, %add3A_690, %select_n3A_673 : vector<256x128xi1>, vector<256x128xi32>
    %slice3A_692 = vector.extract_strided_slice %dot_general3A_601 {offsets = [0, 640], sizes = [256, 128], strides = [1, 1]} : vector<256x1024xf32> to vector<256x128xf32>
    %get3A_693 = arith.constant 0 : index
    %get3A_694 = arith.constant 0 : index
    %get3A_695 = vector.load %arg4[%get3A_693, %get3A_694] : memref<1x8192xf32, #tpu.memory_space<vmem>>, vector<1x8192xf32>
    %slice3A_696 = vector.extract_strided_slice %get3A_695 {offsets = [0, 4736], sizes = [1, 128], strides = [1, 1]} : vector<1x8192xf32> to vector<1x128xf32>
    %add3A_697 = vector.broadcast %get3A_4 : vector<256x1xf32> to vector<256x128xf32>
    %add3A_698 = vector.broadcast %slice3A_696 : vector<1x128xf32> to vector<256x128xf32>
    %add3A_699 = arith.addf %add3A_697, %add3A_698 : vector<256x128xf32>
    %mul3A_700 = arith.constant 2.000000e+00 : f32
    %mul3A_701 = vector.broadcast %mul3A_700 : f32 to vector<256x128xf32>
    %mul3A_702 = arith.mulf %mul3A_701, %slice3A_692 : vector<256x128xf32>
    %sub3A_703 = arith.subf %add3A_699, %mul3A_702 : vector<256x128xf32>
    %lt3A_704 = arith.cmpf olt, %sub3A_703, %select_n3A_687 : vector<256x128xf32>
    %select_n3A_705 = arith.select %lt3A_704, %sub3A_703, %select_n3A_687 : vector<256x128xi1>, vector<256x128xf32>
    %add3A_706 = arith.constant 4736 : i32
    %add3A_707 = vector.broadcast %add3A_706 : i32 to vector<256x128xi32>
    %add3A_708 = arith.addi %iota3A, %add3A_707 : vector<256x128xi32>
    %select_n3A_709 = arith.select %lt3A_704, %add3A_708, %select_n3A_691 : vector<256x128xi1>, vector<256x128xi32>
    %slice3A_710 = vector.extract_strided_slice %dot_general3A_601 {offsets = [0, 768], sizes = [256, 128], strides = [1, 1]} : vector<256x1024xf32> to vector<256x128xf32>
    %get3A_711 = arith.constant 0 : index
    %get3A_712 = arith.constant 0 : index
    %get3A_713 = vector.load %arg4[%get3A_711, %get3A_712] : memref<1x8192xf32, #tpu.memory_space<vmem>>, vector<1x8192xf32>
    %slice3A_714 = vector.extract_strided_slice %get3A_713 {offsets = [0, 4864], sizes = [1, 128], strides = [1, 1]} : vector<1x8192xf32> to vector<1x128xf32>
    %add3A_715 = vector.broadcast %get3A_4 : vector<256x1xf32> to vector<256x128xf32>
    %add3A_716 = vector.broadcast %slice3A_714 : vector<1x128xf32> to vector<256x128xf32>
    %add3A_717 = arith.addf %add3A_715, %add3A_716 : vector<256x128xf32>
    %mul3A_718 = arith.constant 2.000000e+00 : f32
    %mul3A_719 = vector.broadcast %mul3A_718 : f32 to vector<256x128xf32>
    %mul3A_720 = arith.mulf %mul3A_719, %slice3A_710 : vector<256x128xf32>
    %sub3A_721 = arith.subf %add3A_717, %mul3A_720 : vector<256x128xf32>
    %lt3A_722 = arith.cmpf olt, %sub3A_721, %select_n3A_705 : vector<256x128xf32>
    %select_n3A_723 = arith.select %lt3A_722, %sub3A_721, %select_n3A_705 : vector<256x128xi1>, vector<256x128xf32>
    %add3A_724 = arith.constant 4864 : i32
    %add3A_725 = vector.broadcast %add3A_724 : i32 to vector<256x128xi32>
    %add3A_726 = arith.addi %iota3A, %add3A_725 : vector<256x128xi32>
    %select_n3A_727 = arith.select %lt3A_722, %add3A_726, %select_n3A_709 : vector<256x128xi1>, vector<256x128xi32>
    %slice3A_728 = vector.extract_strided_slice %dot_general3A_601 {offsets = [0, 896], sizes = [256, 128], strides = [1, 1]} : vector<256x1024xf32> to vector<256x128xf32>
    %get3A_729 = arith.constant 0 : index
    %get3A_730 = arith.constant 0 : index
    %get3A_731 = vector.load %arg4[%get3A_729, %get3A_730] : memref<1x8192xf32, #tpu.memory_space<vmem>>, vector<1x8192xf32>
    %slice3A_732 = vector.extract_strided_slice %get3A_731 {offsets = [0, 4992], sizes = [1, 128], strides = [1, 1]} : vector<1x8192xf32> to vector<1x128xf32>
    %add3A_733 = vector.broadcast %get3A_4 : vector<256x1xf32> to vector<256x128xf32>
    %add3A_734 = vector.broadcast %slice3A_732 : vector<1x128xf32> to vector<256x128xf32>
    %add3A_735 = arith.addf %add3A_733, %add3A_734 : vector<256x128xf32>
    %mul3A_736 = arith.constant 2.000000e+00 : f32
    %mul3A_737 = vector.broadcast %mul3A_736 : f32 to vector<256x128xf32>
    %mul3A_738 = arith.mulf %mul3A_737, %slice3A_728 : vector<256x128xf32>
    %sub3A_739 = arith.subf %add3A_735, %mul3A_738 : vector<256x128xf32>
    %lt3A_740 = arith.cmpf olt, %sub3A_739, %select_n3A_723 : vector<256x128xf32>
    %select_n3A_741 = arith.select %lt3A_740, %sub3A_739, %select_n3A_723 : vector<256x128xi1>, vector<256x128xf32>
    %add3A_742 = arith.constant 4992 : i32
    %add3A_743 = vector.broadcast %add3A_742 : i32 to vector<256x128xi32>
    %add3A_744 = arith.addi %iota3A, %add3A_743 : vector<256x128xi32>
    %select_n3A_745 = arith.select %lt3A_740, %add3A_744, %select_n3A_727 : vector<256x128xi1>, vector<256x128xi32>
    %get3A_746 = arith.constant 5120 : index
    %get3A_747 = arith.constant 0 : index
    %get3A_748 = vector.load %arg2[%get3A_746, %get3A_747] : memref<8192x64xf32, #tpu.memory_space<vmem>>, vector<1024x64xf32>
    %dot_general3A_749 = arith.constant dense<0.000000e+00> : vector<256x1024xf32>
    %dot_general3A_750 = tpu.matmul %get3A_1, %get3A_748, %dot_general3A_749 {dimension_numbers = #tpu.dot_dimension_numbers<[1], [1], [0], [0], [0, 0, 1, 0], [], []>, transpose_lhs_hint = false} : vector<256x64xf32>, vector<1024x64xf32>, vector<256x1024xf32> -> vector<256x1024xf32>
    %slice3A_751 = vector.extract_strided_slice %dot_general3A_750 {offsets = [0, 0], sizes = [256, 128], strides = [1, 1]} : vector<256x1024xf32> to vector<256x128xf32>
    %get3A_752 = arith.constant 0 : index
    %get3A_753 = arith.constant 0 : index
    %get3A_754 = vector.load %arg4[%get3A_752, %get3A_753] : memref<1x8192xf32, #tpu.memory_space<vmem>>, vector<1x8192xf32>
    %slice3A_755 = vector.extract_strided_slice %get3A_754 {offsets = [0, 5120], sizes = [1, 128], strides = [1, 1]} : vector<1x8192xf32> to vector<1x128xf32>
    %add3A_756 = vector.broadcast %get3A_4 : vector<256x1xf32> to vector<256x128xf32>
    %add3A_757 = vector.broadcast %slice3A_755 : vector<1x128xf32> to vector<256x128xf32>
    %add3A_758 = arith.addf %add3A_756, %add3A_757 : vector<256x128xf32>
    %mul3A_759 = arith.constant 2.000000e+00 : f32
    %mul3A_760 = vector.broadcast %mul3A_759 : f32 to vector<256x128xf32>
    %mul3A_761 = arith.mulf %mul3A_760, %slice3A_751 : vector<256x128xf32>
    %sub3A_762 = arith.subf %add3A_758, %mul3A_761 : vector<256x128xf32>
    %lt3A_763 = arith.cmpf olt, %sub3A_762, %select_n3A_741 : vector<256x128xf32>
    %select_n3A_764 = arith.select %lt3A_763, %sub3A_762, %select_n3A_741 : vector<256x128xi1>, vector<256x128xf32>
    %add3A_765 = arith.constant 5120 : i32
    %add3A_766 = vector.broadcast %add3A_765 : i32 to vector<256x128xi32>
    %add3A_767 = arith.addi %iota3A, %add3A_766 : vector<256x128xi32>
    %select_n3A_768 = arith.select %lt3A_763, %add3A_767, %select_n3A_745 : vector<256x128xi1>, vector<256x128xi32>
    %slice3A_769 = vector.extract_strided_slice %dot_general3A_750 {offsets = [0, 128], sizes = [256, 128], strides = [1, 1]} : vector<256x1024xf32> to vector<256x128xf32>
    %get3A_770 = arith.constant 0 : index
    %get3A_771 = arith.constant 0 : index
    %get3A_772 = vector.load %arg4[%get3A_770, %get3A_771] : memref<1x8192xf32, #tpu.memory_space<vmem>>, vector<1x8192xf32>
    %slice3A_773 = vector.extract_strided_slice %get3A_772 {offsets = [0, 5248], sizes = [1, 128], strides = [1, 1]} : vector<1x8192xf32> to vector<1x128xf32>
    %add3A_774 = vector.broadcast %get3A_4 : vector<256x1xf32> to vector<256x128xf32>
    %add3A_775 = vector.broadcast %slice3A_773 : vector<1x128xf32> to vector<256x128xf32>
    %add3A_776 = arith.addf %add3A_774, %add3A_775 : vector<256x128xf32>
    %mul3A_777 = arith.constant 2.000000e+00 : f32
    %mul3A_778 = vector.broadcast %mul3A_777 : f32 to vector<256x128xf32>
    %mul3A_779 = arith.mulf %mul3A_778, %slice3A_769 : vector<256x128xf32>
    %sub3A_780 = arith.subf %add3A_776, %mul3A_779 : vector<256x128xf32>
    %lt3A_781 = arith.cmpf olt, %sub3A_780, %select_n3A_764 : vector<256x128xf32>
    %select_n3A_782 = arith.select %lt3A_781, %sub3A_780, %select_n3A_764 : vector<256x128xi1>, vector<256x128xf32>
    %add3A_783 = arith.constant 5248 : i32
    %add3A_784 = vector.broadcast %add3A_783 : i32 to vector<256x128xi32>
    %add3A_785 = arith.addi %iota3A, %add3A_784 : vector<256x128xi32>
    %select_n3A_786 = arith.select %lt3A_781, %add3A_785, %select_n3A_768 : vector<256x128xi1>, vector<256x128xi32>
    %slice3A_787 = vector.extract_strided_slice %dot_general3A_750 {offsets = [0, 256], sizes = [256, 128], strides = [1, 1]} : vector<256x1024xf32> to vector<256x128xf32>
    %get3A_788 = arith.constant 0 : index
    %get3A_789 = arith.constant 0 : index
    %get3A_790 = vector.load %arg4[%get3A_788, %get3A_789] : memref<1x8192xf32, #tpu.memory_space<vmem>>, vector<1x8192xf32>
    %slice3A_791 = vector.extract_strided_slice %get3A_790 {offsets = [0, 5376], sizes = [1, 128], strides = [1, 1]} : vector<1x8192xf32> to vector<1x128xf32>
    %add3A_792 = vector.broadcast %get3A_4 : vector<256x1xf32> to vector<256x128xf32>
    %add3A_793 = vector.broadcast %slice3A_791 : vector<1x128xf32> to vector<256x128xf32>
    %add3A_794 = arith.addf %add3A_792, %add3A_793 : vector<256x128xf32>
    %mul3A_795 = arith.constant 2.000000e+00 : f32
    %mul3A_796 = vector.broadcast %mul3A_795 : f32 to vector<256x128xf32>
    %mul3A_797 = arith.mulf %mul3A_796, %slice3A_787 : vector<256x128xf32>
    %sub3A_798 = arith.subf %add3A_794, %mul3A_797 : vector<256x128xf32>
    %lt3A_799 = arith.cmpf olt, %sub3A_798, %select_n3A_782 : vector<256x128xf32>
    %select_n3A_800 = arith.select %lt3A_799, %sub3A_798, %select_n3A_782 : vector<256x128xi1>, vector<256x128xf32>
    %add3A_801 = arith.constant 5376 : i32
    %add3A_802 = vector.broadcast %add3A_801 : i32 to vector<256x128xi32>
    %add3A_803 = arith.addi %iota3A, %add3A_802 : vector<256x128xi32>
    %select_n3A_804 = arith.select %lt3A_799, %add3A_803, %select_n3A_786 : vector<256x128xi1>, vector<256x128xi32>
    %slice3A_805 = vector.extract_strided_slice %dot_general3A_750 {offsets = [0, 384], sizes = [256, 128], strides = [1, 1]} : vector<256x1024xf32> to vector<256x128xf32>
    %get3A_806 = arith.constant 0 : index
    %get3A_807 = arith.constant 0 : index
    %get3A_808 = vector.load %arg4[%get3A_806, %get3A_807] : memref<1x8192xf32, #tpu.memory_space<vmem>>, vector<1x8192xf32>
    %slice3A_809 = vector.extract_strided_slice %get3A_808 {offsets = [0, 5504], sizes = [1, 128], strides = [1, 1]} : vector<1x8192xf32> to vector<1x128xf32>
    %add3A_810 = vector.broadcast %get3A_4 : vector<256x1xf32> to vector<256x128xf32>
    %add3A_811 = vector.broadcast %slice3A_809 : vector<1x128xf32> to vector<256x128xf32>
    %add3A_812 = arith.addf %add3A_810, %add3A_811 : vector<256x128xf32>
    %mul3A_813 = arith.constant 2.000000e+00 : f32
    %mul3A_814 = vector.broadcast %mul3A_813 : f32 to vector<256x128xf32>
    %mul3A_815 = arith.mulf %mul3A_814, %slice3A_805 : vector<256x128xf32>
    %sub3A_816 = arith.subf %add3A_812, %mul3A_815 : vector<256x128xf32>
    %lt3A_817 = arith.cmpf olt, %sub3A_816, %select_n3A_800 : vector<256x128xf32>
    %select_n3A_818 = arith.select %lt3A_817, %sub3A_816, %select_n3A_800 : vector<256x128xi1>, vector<256x128xf32>
    %add3A_819 = arith.constant 5504 : i32
    %add3A_820 = vector.broadcast %add3A_819 : i32 to vector<256x128xi32>
    %add3A_821 = arith.addi %iota3A, %add3A_820 : vector<256x128xi32>
    %select_n3A_822 = arith.select %lt3A_817, %add3A_821, %select_n3A_804 : vector<256x128xi1>, vector<256x128xi32>
    %slice3A_823 = vector.extract_strided_slice %dot_general3A_750 {offsets = [0, 512], sizes = [256, 128], strides = [1, 1]} : vector<256x1024xf32> to vector<256x128xf32>
    %get3A_824 = arith.constant 0 : index
    %get3A_825 = arith.constant 0 : index
    %get3A_826 = vector.load %arg4[%get3A_824, %get3A_825] : memref<1x8192xf32, #tpu.memory_space<vmem>>, vector<1x8192xf32>
    %slice3A_827 = vector.extract_strided_slice %get3A_826 {offsets = [0, 5632], sizes = [1, 128], strides = [1, 1]} : vector<1x8192xf32> to vector<1x128xf32>
    %add3A_828 = vector.broadcast %get3A_4 : vector<256x1xf32> to vector<256x128xf32>
    %add3A_829 = vector.broadcast %slice3A_827 : vector<1x128xf32> to vector<256x128xf32>
    %add3A_830 = arith.addf %add3A_828, %add3A_829 : vector<256x128xf32>
    %mul3A_831 = arith.constant 2.000000e+00 : f32
    %mul3A_832 = vector.broadcast %mul3A_831 : f32 to vector<256x128xf32>
    %mul3A_833 = arith.mulf %mul3A_832, %slice3A_823 : vector<256x128xf32>
    %sub3A_834 = arith.subf %add3A_830, %mul3A_833 : vector<256x128xf32>
    %lt3A_835 = arith.cmpf olt, %sub3A_834, %select_n3A_818 : vector<256x128xf32>
    %select_n3A_836 = arith.select %lt3A_835, %sub3A_834, %select_n3A_818 : vector<256x128xi1>, vector<256x128xf32>
    %add3A_837 = arith.constant 5632 : i32
    %add3A_838 = vector.broadcast %add3A_837 : i32 to vector<256x128xi32>
    %add3A_839 = arith.addi %iota3A, %add3A_838 : vector<256x128xi32>
    %select_n3A_840 = arith.select %lt3A_835, %add3A_839, %select_n3A_822 : vector<256x128xi1>, vector<256x128xi32>
    %slice3A_841 = vector.extract_strided_slice %dot_general3A_750 {offsets = [0, 640], sizes = [256, 128], strides = [1, 1]} : vector<256x1024xf32> to vector<256x128xf32>
    %get3A_842 = arith.constant 0 : index
    %get3A_843 = arith.constant 0 : index
    %get3A_844 = vector.load %arg4[%get3A_842, %get3A_843] : memref<1x8192xf32, #tpu.memory_space<vmem>>, vector<1x8192xf32>
    %slice3A_845 = vector.extract_strided_slice %get3A_844 {offsets = [0, 5760], sizes = [1, 128], strides = [1, 1]} : vector<1x8192xf32> to vector<1x128xf32>
    %add3A_846 = vector.broadcast %get3A_4 : vector<256x1xf32> to vector<256x128xf32>
    %add3A_847 = vector.broadcast %slice3A_845 : vector<1x128xf32> to vector<256x128xf32>
    %add3A_848 = arith.addf %add3A_846, %add3A_847 : vector<256x128xf32>
    %mul3A_849 = arith.constant 2.000000e+00 : f32
    %mul3A_850 = vector.broadcast %mul3A_849 : f32 to vector<256x128xf32>
    %mul3A_851 = arith.mulf %mul3A_850, %slice3A_841 : vector<256x128xf32>
    %sub3A_852 = arith.subf %add3A_848, %mul3A_851 : vector<256x128xf32>
    %lt3A_853 = arith.cmpf olt, %sub3A_852, %select_n3A_836 : vector<256x128xf32>
    %select_n3A_854 = arith.select %lt3A_853, %sub3A_852, %select_n3A_836 : vector<256x128xi1>, vector<256x128xf32>
    %add3A_855 = arith.constant 5760 : i32
    %add3A_856 = vector.broadcast %add3A_855 : i32 to vector<256x128xi32>
    %add3A_857 = arith.addi %iota3A, %add3A_856 : vector<256x128xi32>
    %select_n3A_858 = arith.select %lt3A_853, %add3A_857, %select_n3A_840 : vector<256x128xi1>, vector<256x128xi32>
    %slice3A_859 = vector.extract_strided_slice %dot_general3A_750 {offsets = [0, 768], sizes = [256, 128], strides = [1, 1]} : vector<256x1024xf32> to vector<256x128xf32>
    %get3A_860 = arith.constant 0 : index
    %get3A_861 = arith.constant 0 : index
    %get3A_862 = vector.load %arg4[%get3A_860, %get3A_861] : memref<1x8192xf32, #tpu.memory_space<vmem>>, vector<1x8192xf32>
    %slice3A_863 = vector.extract_strided_slice %get3A_862 {offsets = [0, 5888], sizes = [1, 128], strides = [1, 1]} : vector<1x8192xf32> to vector<1x128xf32>
    %add3A_864 = vector.broadcast %get3A_4 : vector<256x1xf32> to vector<256x128xf32>
    %add3A_865 = vector.broadcast %slice3A_863 : vector<1x128xf32> to vector<256x128xf32>
    %add3A_866 = arith.addf %add3A_864, %add3A_865 : vector<256x128xf32>
    %mul3A_867 = arith.constant 2.000000e+00 : f32
    %mul3A_868 = vector.broadcast %mul3A_867 : f32 to vector<256x128xf32>
    %mul3A_869 = arith.mulf %mul3A_868, %slice3A_859 : vector<256x128xf32>
    %sub3A_870 = arith.subf %add3A_866, %mul3A_869 : vector<256x128xf32>
    %lt3A_871 = arith.cmpf olt, %sub3A_870, %select_n3A_854 : vector<256x128xf32>
    %select_n3A_872 = arith.select %lt3A_871, %sub3A_870, %select_n3A_854 : vector<256x128xi1>, vector<256x128xf32>
    %add3A_873 = arith.constant 5888 : i32
    %add3A_874 = vector.broadcast %add3A_873 : i32 to vector<256x128xi32>
    %add3A_875 = arith.addi %iota3A, %add3A_874 : vector<256x128xi32>
    %select_n3A_876 = arith.select %lt3A_871, %add3A_875, %select_n3A_858 : vector<256x128xi1>, vector<256x128xi32>
    %slice3A_877 = vector.extract_strided_slice %dot_general3A_750 {offsets = [0, 896], sizes = [256, 128], strides = [1, 1]} : vector<256x1024xf32> to vector<256x128xf32>
    %get3A_878 = arith.constant 0 : index
    %get3A_879 = arith.constant 0 : index
    %get3A_880 = vector.load %arg4[%get3A_878, %get3A_879] : memref<1x8192xf32, #tpu.memory_space<vmem>>, vector<1x8192xf32>
    %slice3A_881 = vector.extract_strided_slice %get3A_880 {offsets = [0, 6016], sizes = [1, 128], strides = [1, 1]} : vector<1x8192xf32> to vector<1x128xf32>
    %add3A_882 = vector.broadcast %get3A_4 : vector<256x1xf32> to vector<256x128xf32>
    %add3A_883 = vector.broadcast %slice3A_881 : vector<1x128xf32> to vector<256x128xf32>
    %add3A_884 = arith.addf %add3A_882, %add3A_883 : vector<256x128xf32>
    %mul3A_885 = arith.constant 2.000000e+00 : f32
    %mul3A_886 = vector.broadcast %mul3A_885 : f32 to vector<256x128xf32>
    %mul3A_887 = arith.mulf %mul3A_886, %slice3A_877 : vector<256x128xf32>
    %sub3A_888 = arith.subf %add3A_884, %mul3A_887 : vector<256x128xf32>
    %lt3A_889 = arith.cmpf olt, %sub3A_888, %select_n3A_872 : vector<256x128xf32>
    %select_n3A_890 = arith.select %lt3A_889, %sub3A_888, %select_n3A_872 : vector<256x128xi1>, vector<256x128xf32>
    %add3A_891 = arith.constant 6016 : i32
    %add3A_892 = vector.broadcast %add3A_891 : i32 to vector<256x128xi32>
    %add3A_893 = arith.addi %iota3A, %add3A_892 : vector<256x128xi32>
    %select_n3A_894 = arith.select %lt3A_889, %add3A_893, %select_n3A_876 : vector<256x128xi1>, vector<256x128xi32>
    %get3A_895 = arith.constant 6144 : index
    %get3A_896 = arith.constant 0 : index
    %get3A_897 = vector.load %arg2[%get3A_895, %get3A_896] : memref<8192x64xf32, #tpu.memory_space<vmem>>, vector<1024x64xf32>
    %dot_general3A_898 = arith.constant dense<0.000000e+00> : vector<256x1024xf32>
    %dot_general3A_899 = tpu.matmul %get3A_1, %get3A_897, %dot_general3A_898 {dimension_numbers = #tpu.dot_dimension_numbers<[1], [1], [0], [0], [0, 0, 1, 0], [], []>, transpose_lhs_hint = false} : vector<256x64xf32>, vector<1024x64xf32>, vector<256x1024xf32> -> vector<256x1024xf32>
    %slice3A_900 = vector.extract_strided_slice %dot_general3A_899 {offsets = [0, 0], sizes = [256, 128], strides = [1, 1]} : vector<256x1024xf32> to vector<256x128xf32>
    %get3A_901 = arith.constant 0 : index
    %get3A_902 = arith.constant 0 : index
    %get3A_903 = vector.load %arg4[%get3A_901, %get3A_902] : memref<1x8192xf32, #tpu.memory_space<vmem>>, vector<1x8192xf32>
    %slice3A_904 = vector.extract_strided_slice %get3A_903 {offsets = [0, 6144], sizes = [1, 128], strides = [1, 1]} : vector<1x8192xf32> to vector<1x128xf32>
    %add3A_905 = vector.broadcast %get3A_4 : vector<256x1xf32> to vector<256x128xf32>
    %add3A_906 = vector.broadcast %slice3A_904 : vector<1x128xf32> to vector<256x128xf32>
    %add3A_907 = arith.addf %add3A_905, %add3A_906 : vector<256x128xf32>
    %mul3A_908 = arith.constant 2.000000e+00 : f32
    %mul3A_909 = vector.broadcast %mul3A_908 : f32 to vector<256x128xf32>
    %mul3A_910 = arith.mulf %mul3A_909, %slice3A_900 : vector<256x128xf32>
    %sub3A_911 = arith.subf %add3A_907, %mul3A_910 : vector<256x128xf32>
    %lt3A_912 = arith.cmpf olt, %sub3A_911, %select_n3A_890 : vector<256x128xf32>
    %select_n3A_913 = arith.select %lt3A_912, %sub3A_911, %select_n3A_890 : vector<256x128xi1>, vector<256x128xf32>
    %add3A_914 = arith.constant 6144 : i32
    %add3A_915 = vector.broadcast %add3A_914 : i32 to vector<256x128xi32>
    %add3A_916 = arith.addi %iota3A, %add3A_915 : vector<256x128xi32>
    %select_n3A_917 = arith.select %lt3A_912, %add3A_916, %select_n3A_894 : vector<256x128xi1>, vector<256x128xi32>
    %slice3A_918 = vector.extract_strided_slice %dot_general3A_899 {offsets = [0, 128], sizes = [256, 128], strides = [1, 1]} : vector<256x1024xf32> to vector<256x128xf32>
    %get3A_919 = arith.constant 0 : index
    %get3A_920 = arith.constant 0 : index
    %get3A_921 = vector.load %arg4[%get3A_919, %get3A_920] : memref<1x8192xf32, #tpu.memory_space<vmem>>, vector<1x8192xf32>
    %slice3A_922 = vector.extract_strided_slice %get3A_921 {offsets = [0, 6272], sizes = [1, 128], strides = [1, 1]} : vector<1x8192xf32> to vector<1x128xf32>
    %add3A_923 = vector.broadcast %get3A_4 : vector<256x1xf32> to vector<256x128xf32>
    %add3A_924 = vector.broadcast %slice3A_922 : vector<1x128xf32> to vector<256x128xf32>
    %add3A_925 = arith.addf %add3A_923, %add3A_924 : vector<256x128xf32>
    %mul3A_926 = arith.constant 2.000000e+00 : f32
    %mul3A_927 = vector.broadcast %mul3A_926 : f32 to vector<256x128xf32>
    %mul3A_928 = arith.mulf %mul3A_927, %slice3A_918 : vector<256x128xf32>
    %sub3A_929 = arith.subf %add3A_925, %mul3A_928 : vector<256x128xf32>
    %lt3A_930 = arith.cmpf olt, %sub3A_929, %select_n3A_913 : vector<256x128xf32>
    %select_n3A_931 = arith.select %lt3A_930, %sub3A_929, %select_n3A_913 : vector<256x128xi1>, vector<256x128xf32>
    %add3A_932 = arith.constant 6272 : i32
    %add3A_933 = vector.broadcast %add3A_932 : i32 to vector<256x128xi32>
    %add3A_934 = arith.addi %iota3A, %add3A_933 : vector<256x128xi32>
    %select_n3A_935 = arith.select %lt3A_930, %add3A_934, %select_n3A_917 : vector<256x128xi1>, vector<256x128xi32>
    %slice3A_936 = vector.extract_strided_slice %dot_general3A_899 {offsets = [0, 256], sizes = [256, 128], strides = [1, 1]} : vector<256x1024xf32> to vector<256x128xf32>
    %get3A_937 = arith.constant 0 : index
    %get3A_938 = arith.constant 0 : index
    %get3A_939 = vector.load %arg4[%get3A_937, %get3A_938] : memref<1x8192xf32, #tpu.memory_space<vmem>>, vector<1x8192xf32>
    %slice3A_940 = vector.extract_strided_slice %get3A_939 {offsets = [0, 6400], sizes = [1, 128], strides = [1, 1]} : vector<1x8192xf32> to vector<1x128xf32>
    %add3A_941 = vector.broadcast %get3A_4 : vector<256x1xf32> to vector<256x128xf32>
    %add3A_942 = vector.broadcast %slice3A_940 : vector<1x128xf32> to vector<256x128xf32>
    %add3A_943 = arith.addf %add3A_941, %add3A_942 : vector<256x128xf32>
    %mul3A_944 = arith.constant 2.000000e+00 : f32
    %mul3A_945 = vector.broadcast %mul3A_944 : f32 to vector<256x128xf32>
    %mul3A_946 = arith.mulf %mul3A_945, %slice3A_936 : vector<256x128xf32>
    %sub3A_947 = arith.subf %add3A_943, %mul3A_946 : vector<256x128xf32>
    %lt3A_948 = arith.cmpf olt, %sub3A_947, %select_n3A_931 : vector<256x128xf32>
    %select_n3A_949 = arith.select %lt3A_948, %sub3A_947, %select_n3A_931 : vector<256x128xi1>, vector<256x128xf32>
    %add3A_950 = arith.constant 6400 : i32
    %add3A_951 = vector.broadcast %add3A_950 : i32 to vector<256x128xi32>
    %add3A_952 = arith.addi %iota3A, %add3A_951 : vector<256x128xi32>
    %select_n3A_953 = arith.select %lt3A_948, %add3A_952, %select_n3A_935 : vector<256x128xi1>, vector<256x128xi32>
    %slice3A_954 = vector.extract_strided_slice %dot_general3A_899 {offsets = [0, 384], sizes = [256, 128], strides = [1, 1]} : vector<256x1024xf32> to vector<256x128xf32>
    %get3A_955 = arith.constant 0 : index
    %get3A_956 = arith.constant 0 : index
    %get3A_957 = vector.load %arg4[%get3A_955, %get3A_956] : memref<1x8192xf32, #tpu.memory_space<vmem>>, vector<1x8192xf32>
    %slice3A_958 = vector.extract_strided_slice %get3A_957 {offsets = [0, 6528], sizes = [1, 128], strides = [1, 1]} : vector<1x8192xf32> to vector<1x128xf32>
    %add3A_959 = vector.broadcast %get3A_4 : vector<256x1xf32> to vector<256x128xf32>
    %add3A_960 = vector.broadcast %slice3A_958 : vector<1x128xf32> to vector<256x128xf32>
    %add3A_961 = arith.addf %add3A_959, %add3A_960 : vector<256x128xf32>
    %mul3A_962 = arith.constant 2.000000e+00 : f32
    %mul3A_963 = vector.broadcast %mul3A_962 : f32 to vector<256x128xf32>
    %mul3A_964 = arith.mulf %mul3A_963, %slice3A_954 : vector<256x128xf32>
    %sub3A_965 = arith.subf %add3A_961, %mul3A_964 : vector<256x128xf32>
    %lt3A_966 = arith.cmpf olt, %sub3A_965, %select_n3A_949 : vector<256x128xf32>
    %select_n3A_967 = arith.select %lt3A_966, %sub3A_965, %select_n3A_949 : vector<256x128xi1>, vector<256x128xf32>
    %add3A_968 = arith.constant 6528 : i32
    %add3A_969 = vector.broadcast %add3A_968 : i32 to vector<256x128xi32>
    %add3A_970 = arith.addi %iota3A, %add3A_969 : vector<256x128xi32>
    %select_n3A_971 = arith.select %lt3A_966, %add3A_970, %select_n3A_953 : vector<256x128xi1>, vector<256x128xi32>
    %slice3A_972 = vector.extract_strided_slice %dot_general3A_899 {offsets = [0, 512], sizes = [256, 128], strides = [1, 1]} : vector<256x1024xf32> to vector<256x128xf32>
    %get3A_973 = arith.constant 0 : index
    %get3A_974 = arith.constant 0 : index
    %get3A_975 = vector.load %arg4[%get3A_973, %get3A_974] : memref<1x8192xf32, #tpu.memory_space<vmem>>, vector<1x8192xf32>
    %slice3A_976 = vector.extract_strided_slice %get3A_975 {offsets = [0, 6656], sizes = [1, 128], strides = [1, 1]} : vector<1x8192xf32> to vector<1x128xf32>
    %add3A_977 = vector.broadcast %get3A_4 : vector<256x1xf32> to vector<256x128xf32>
    %add3A_978 = vector.broadcast %slice3A_976 : vector<1x128xf32> to vector<256x128xf32>
    %add3A_979 = arith.addf %add3A_977, %add3A_978 : vector<256x128xf32>
    %mul3A_980 = arith.constant 2.000000e+00 : f32
    %mul3A_981 = vector.broadcast %mul3A_980 : f32 to vector<256x128xf32>
    %mul3A_982 = arith.mulf %mul3A_981, %slice3A_972 : vector<256x128xf32>
    %sub3A_983 = arith.subf %add3A_979, %mul3A_982 : vector<256x128xf32>
    %lt3A_984 = arith.cmpf olt, %sub3A_983, %select_n3A_967 : vector<256x128xf32>
    %select_n3A_985 = arith.select %lt3A_984, %sub3A_983, %select_n3A_967 : vector<256x128xi1>, vector<256x128xf32>
    %add3A_986 = arith.constant 6656 : i32
    %add3A_987 = vector.broadcast %add3A_986 : i32 to vector<256x128xi32>
    %add3A_988 = arith.addi %iota3A, %add3A_987 : vector<256x128xi32>
    %select_n3A_989 = arith.select %lt3A_984, %add3A_988, %select_n3A_971 : vector<256x128xi1>, vector<256x128xi32>
    %slice3A_990 = vector.extract_strided_slice %dot_general3A_899 {offsets = [0, 640], sizes = [256, 128], strides = [1, 1]} : vector<256x1024xf32> to vector<256x128xf32>
    %get3A_991 = arith.constant 0 : index
    %get3A_992 = arith.constant 0 : index
    %get3A_993 = vector.load %arg4[%get3A_991, %get3A_992] : memref<1x8192xf32, #tpu.memory_space<vmem>>, vector<1x8192xf32>
    %slice3A_994 = vector.extract_strided_slice %get3A_993 {offsets = [0, 6784], sizes = [1, 128], strides = [1, 1]} : vector<1x8192xf32> to vector<1x128xf32>
    %add3A_995 = vector.broadcast %get3A_4 : vector<256x1xf32> to vector<256x128xf32>
    %add3A_996 = vector.broadcast %slice3A_994 : vector<1x128xf32> to vector<256x128xf32>
    %add3A_997 = arith.addf %add3A_995, %add3A_996 : vector<256x128xf32>
    %mul3A_998 = arith.constant 2.000000e+00 : f32
    %mul3A_999 = vector.broadcast %mul3A_998 : f32 to vector<256x128xf32>
    %mul3A_1000 = arith.mulf %mul3A_999, %slice3A_990 : vector<256x128xf32>
    %sub3A_1001 = arith.subf %add3A_997, %mul3A_1000 : vector<256x128xf32>
    %lt3A_1002 = arith.cmpf olt, %sub3A_1001, %select_n3A_985 : vector<256x128xf32>
    %select_n3A_1003 = arith.select %lt3A_1002, %sub3A_1001, %select_n3A_985 : vector<256x128xi1>, vector<256x128xf32>
    %add3A_1004 = arith.constant 6784 : i32
    %add3A_1005 = vector.broadcast %add3A_1004 : i32 to vector<256x128xi32>
    %add3A_1006 = arith.addi %iota3A, %add3A_1005 : vector<256x128xi32>
    %select_n3A_1007 = arith.select %lt3A_1002, %add3A_1006, %select_n3A_989 : vector<256x128xi1>, vector<256x128xi32>
    %slice3A_1008 = vector.extract_strided_slice %dot_general3A_899 {offsets = [0, 768], sizes = [256, 128], strides = [1, 1]} : vector<256x1024xf32> to vector<256x128xf32>
    %get3A_1009 = arith.constant 0 : index
    %get3A_1010 = arith.constant 0 : index
    %get3A_1011 = vector.load %arg4[%get3A_1009, %get3A_1010] : memref<1x8192xf32, #tpu.memory_space<vmem>>, vector<1x8192xf32>
    %slice3A_1012 = vector.extract_strided_slice %get3A_1011 {offsets = [0, 6912], sizes = [1, 128], strides = [1, 1]} : vector<1x8192xf32> to vector<1x128xf32>
    %add3A_1013 = vector.broadcast %get3A_4 : vector<256x1xf32> to vector<256x128xf32>
    %add3A_1014 = vector.broadcast %slice3A_1012 : vector<1x128xf32> to vector<256x128xf32>
    %add3A_1015 = arith.addf %add3A_1013, %add3A_1014 : vector<256x128xf32>
    %mul3A_1016 = arith.constant 2.000000e+00 : f32
    %mul3A_1017 = vector.broadcast %mul3A_1016 : f32 to vector<256x128xf32>
    %mul3A_1018 = arith.mulf %mul3A_1017, %slice3A_1008 : vector<256x128xf32>
    %sub3A_1019 = arith.subf %add3A_1015, %mul3A_1018 : vector<256x128xf32>
    %lt3A_1020 = arith.cmpf olt, %sub3A_1019, %select_n3A_1003 : vector<256x128xf32>
    %select_n3A_1021 = arith.select %lt3A_1020, %sub3A_1019, %select_n3A_1003 : vector<256x128xi1>, vector<256x128xf32>
    %add3A_1022 = arith.constant 6912 : i32
    %add3A_1023 = vector.broadcast %add3A_1022 : i32 to vector<256x128xi32>
    %add3A_1024 = arith.addi %iota3A, %add3A_1023 : vector<256x128xi32>
    %select_n3A_1025 = arith.select %lt3A_1020, %add3A_1024, %select_n3A_1007 : vector<256x128xi1>, vector<256x128xi32>
    %slice3A_1026 = vector.extract_strided_slice %dot_general3A_899 {offsets = [0, 896], sizes = [256, 128], strides = [1, 1]} : vector<256x1024xf32> to vector<256x128xf32>
    %get3A_1027 = arith.constant 0 : index
    %get3A_1028 = arith.constant 0 : index
    %get3A_1029 = vector.load %arg4[%get3A_1027, %get3A_1028] : memref<1x8192xf32, #tpu.memory_space<vmem>>, vector<1x8192xf32>
    %slice3A_1030 = vector.extract_strided_slice %get3A_1029 {offsets = [0, 7040], sizes = [1, 128], strides = [1, 1]} : vector<1x8192xf32> to vector<1x128xf32>
    %add3A_1031 = vector.broadcast %get3A_4 : vector<256x1xf32> to vector<256x128xf32>
    %add3A_1032 = vector.broadcast %slice3A_1030 : vector<1x128xf32> to vector<256x128xf32>
    %add3A_1033 = arith.addf %add3A_1031, %add3A_1032 : vector<256x128xf32>
    %mul3A_1034 = arith.constant 2.000000e+00 : f32
    %mul3A_1035 = vector.broadcast %mul3A_1034 : f32 to vector<256x128xf32>
    %mul3A_1036 = arith.mulf %mul3A_1035, %slice3A_1026 : vector<256x128xf32>
    %sub3A_1037 = arith.subf %add3A_1033, %mul3A_1036 : vector<256x128xf32>
    %lt3A_1038 = arith.cmpf olt, %sub3A_1037, %select_n3A_1021 : vector<256x128xf32>
    %select_n3A_1039 = arith.select %lt3A_1038, %sub3A_1037, %select_n3A_1021 : vector<256x128xi1>, vector<256x128xf32>
    %add3A_1040 = arith.constant 7040 : i32
    %add3A_1041 = vector.broadcast %add3A_1040 : i32 to vector<256x128xi32>
    %add3A_1042 = arith.addi %iota3A, %add3A_1041 : vector<256x128xi32>
    %select_n3A_1043 = arith.select %lt3A_1038, %add3A_1042, %select_n3A_1025 : vector<256x128xi1>, vector<256x128xi32>
    %get3A_1044 = arith.constant 7168 : index
    %get3A_1045 = arith.constant 0 : index
    %get3A_1046 = vector.load %arg2[%get3A_1044, %get3A_1045] : memref<8192x64xf32, #tpu.memory_space<vmem>>, vector<1024x64xf32>
    %dot_general3A_1047 = arith.constant dense<0.000000e+00> : vector<256x1024xf32>
    %dot_general3A_1048 = tpu.matmul %get3A_1, %get3A_1046, %dot_general3A_1047 {dimension_numbers = #tpu.dot_dimension_numbers<[1], [1], [0], [0], [0, 0, 1, 0], [], []>, transpose_lhs_hint = false} : vector<256x64xf32>, vector<1024x64xf32>, vector<256x1024xf32> -> vector<256x1024xf32>
    %slice3A_1049 = vector.extract_strided_slice %dot_general3A_1048 {offsets = [0, 0], sizes = [256, 128], strides = [1, 1]} : vector<256x1024xf32> to vector<256x128xf32>
    %get3A_1050 = arith.constant 0 : index
    %get3A_1051 = arith.constant 0 : index
    %get3A_1052 = vector.load %arg4[%get3A_1050, %get3A_1051] : memref<1x8192xf32, #tpu.memory_space<vmem>>, vector<1x8192xf32>
    %slice3A_1053 = vector.extract_strided_slice %get3A_1052 {offsets = [0, 7168], sizes = [1, 128], strides = [1, 1]} : vector<1x8192xf32> to vector<1x128xf32>
    %add3A_1054 = vector.broadcast %get3A_4 : vector<256x1xf32> to vector<256x128xf32>
    %add3A_1055 = vector.broadcast %slice3A_1053 : vector<1x128xf32> to vector<256x128xf32>
    %add3A_1056 = arith.addf %add3A_1054, %add3A_1055 : vector<256x128xf32>
    %mul3A_1057 = arith.constant 2.000000e+00 : f32
    %mul3A_1058 = vector.broadcast %mul3A_1057 : f32 to vector<256x128xf32>
    %mul3A_1059 = arith.mulf %mul3A_1058, %slice3A_1049 : vector<256x128xf32>
    %sub3A_1060 = arith.subf %add3A_1056, %mul3A_1059 : vector<256x128xf32>
    %lt3A_1061 = arith.cmpf olt, %sub3A_1060, %select_n3A_1039 : vector<256x128xf32>
    %select_n3A_1062 = arith.select %lt3A_1061, %sub3A_1060, %select_n3A_1039 : vector<256x128xi1>, vector<256x128xf32>
    %add3A_1063 = arith.constant 7168 : i32
    %add3A_1064 = vector.broadcast %add3A_1063 : i32 to vector<256x128xi32>
    %add3A_1065 = arith.addi %iota3A, %add3A_1064 : vector<256x128xi32>
    %select_n3A_1066 = arith.select %lt3A_1061, %add3A_1065, %select_n3A_1043 : vector<256x128xi1>, vector<256x128xi32>
    %slice3A_1067 = vector.extract_strided_slice %dot_general3A_1048 {offsets = [0, 128], sizes = [256, 128], strides = [1, 1]} : vector<256x1024xf32> to vector<256x128xf32>
    %get3A_1068 = arith.constant 0 : index
    %get3A_1069 = arith.constant 0 : index
    %get3A_1070 = vector.load %arg4[%get3A_1068, %get3A_1069] : memref<1x8192xf32, #tpu.memory_space<vmem>>, vector<1x8192xf32>
    %slice3A_1071 = vector.extract_strided_slice %get3A_1070 {offsets = [0, 7296], sizes = [1, 128], strides = [1, 1]} : vector<1x8192xf32> to vector<1x128xf32>
    %add3A_1072 = vector.broadcast %get3A_4 : vector<256x1xf32> to vector<256x128xf32>
    %add3A_1073 = vector.broadcast %slice3A_1071 : vector<1x128xf32> to vector<256x128xf32>
    %add3A_1074 = arith.addf %add3A_1072, %add3A_1073 : vector<256x128xf32>
    %mul3A_1075 = arith.constant 2.000000e+00 : f32
    %mul3A_1076 = vector.broadcast %mul3A_1075 : f32 to vector<256x128xf32>
    %mul3A_1077 = arith.mulf %mul3A_1076, %slice3A_1067 : vector<256x128xf32>
    %sub3A_1078 = arith.subf %add3A_1074, %mul3A_1077 : vector<256x128xf32>
    %lt3A_1079 = arith.cmpf olt, %sub3A_1078, %select_n3A_1062 : vector<256x128xf32>
    %select_n3A_1080 = arith.select %lt3A_1079, %sub3A_1078, %select_n3A_1062 : vector<256x128xi1>, vector<256x128xf32>
    %add3A_1081 = arith.constant 7296 : i32
    %add3A_1082 = vector.broadcast %add3A_1081 : i32 to vector<256x128xi32>
    %add3A_1083 = arith.addi %iota3A, %add3A_1082 : vector<256x128xi32>
    %select_n3A_1084 = arith.select %lt3A_1079, %add3A_1083, %select_n3A_1066 : vector<256x128xi1>, vector<256x128xi32>
    %slice3A_1085 = vector.extract_strided_slice %dot_general3A_1048 {offsets = [0, 256], sizes = [256, 128], strides = [1, 1]} : vector<256x1024xf32> to vector<256x128xf32>
    %get3A_1086 = arith.constant 0 : index
    %get3A_1087 = arith.constant 0 : index
    %get3A_1088 = vector.load %arg4[%get3A_1086, %get3A_1087] : memref<1x8192xf32, #tpu.memory_space<vmem>>, vector<1x8192xf32>
    %slice3A_1089 = vector.extract_strided_slice %get3A_1088 {offsets = [0, 7424], sizes = [1, 128], strides = [1, 1]} : vector<1x8192xf32> to vector<1x128xf32>
    %add3A_1090 = vector.broadcast %get3A_4 : vector<256x1xf32> to vector<256x128xf32>
    %add3A_1091 = vector.broadcast %slice3A_1089 : vector<1x128xf32> to vector<256x128xf32>
    %add3A_1092 = arith.addf %add3A_1090, %add3A_1091 : vector<256x128xf32>
    %mul3A_1093 = arith.constant 2.000000e+00 : f32
    %mul3A_1094 = vector.broadcast %mul3A_1093 : f32 to vector<256x128xf32>
    %mul3A_1095 = arith.mulf %mul3A_1094, %slice3A_1085 : vector<256x128xf32>
    %sub3A_1096 = arith.subf %add3A_1092, %mul3A_1095 : vector<256x128xf32>
    %lt3A_1097 = arith.cmpf olt, %sub3A_1096, %select_n3A_1080 : vector<256x128xf32>
    %select_n3A_1098 = arith.select %lt3A_1097, %sub3A_1096, %select_n3A_1080 : vector<256x128xi1>, vector<256x128xf32>
    %add3A_1099 = arith.constant 7424 : i32
    %add3A_1100 = vector.broadcast %add3A_1099 : i32 to vector<256x128xi32>
    %add3A_1101 = arith.addi %iota3A, %add3A_1100 : vector<256x128xi32>
    %select_n3A_1102 = arith.select %lt3A_1097, %add3A_1101, %select_n3A_1084 : vector<256x128xi1>, vector<256x128xi32>
    %slice3A_1103 = vector.extract_strided_slice %dot_general3A_1048 {offsets = [0, 384], sizes = [256, 128], strides = [1, 1]} : vector<256x1024xf32> to vector<256x128xf32>
    %get3A_1104 = arith.constant 0 : index
    %get3A_1105 = arith.constant 0 : index
    %get3A_1106 = vector.load %arg4[%get3A_1104, %get3A_1105] : memref<1x8192xf32, #tpu.memory_space<vmem>>, vector<1x8192xf32>
    %slice3A_1107 = vector.extract_strided_slice %get3A_1106 {offsets = [0, 7552], sizes = [1, 128], strides = [1, 1]} : vector<1x8192xf32> to vector<1x128xf32>
    %add3A_1108 = vector.broadcast %get3A_4 : vector<256x1xf32> to vector<256x128xf32>
    %add3A_1109 = vector.broadcast %slice3A_1107 : vector<1x128xf32> to vector<256x128xf32>
    %add3A_1110 = arith.addf %add3A_1108, %add3A_1109 : vector<256x128xf32>
    %mul3A_1111 = arith.constant 2.000000e+00 : f32
    %mul3A_1112 = vector.broadcast %mul3A_1111 : f32 to vector<256x128xf32>
    %mul3A_1113 = arith.mulf %mul3A_1112, %slice3A_1103 : vector<256x128xf32>
    %sub3A_1114 = arith.subf %add3A_1110, %mul3A_1113 : vector<256x128xf32>
    %lt3A_1115 = arith.cmpf olt, %sub3A_1114, %select_n3A_1098 : vector<256x128xf32>
    %select_n3A_1116 = arith.select %lt3A_1115, %sub3A_1114, %select_n3A_1098 : vector<256x128xi1>, vector<256x128xf32>
    %add3A_1117 = arith.constant 7552 : i32
    %add3A_1118 = vector.broadcast %add3A_1117 : i32 to vector<256x128xi32>
    %add3A_1119 = arith.addi %iota3A, %add3A_1118 : vector<256x128xi32>
    %select_n3A_1120 = arith.select %lt3A_1115, %add3A_1119, %select_n3A_1102 : vector<256x128xi1>, vector<256x128xi32>
    %slice3A_1121 = vector.extract_strided_slice %dot_general3A_1048 {offsets = [0, 512], sizes = [256, 128], strides = [1, 1]} : vector<256x1024xf32> to vector<256x128xf32>
    %get3A_1122 = arith.constant 0 : index
    %get3A_1123 = arith.constant 0 : index
    %get3A_1124 = vector.load %arg4[%get3A_1122, %get3A_1123] : memref<1x8192xf32, #tpu.memory_space<vmem>>, vector<1x8192xf32>
    %slice3A_1125 = vector.extract_strided_slice %get3A_1124 {offsets = [0, 7680], sizes = [1, 128], strides = [1, 1]} : vector<1x8192xf32> to vector<1x128xf32>
    %add3A_1126 = vector.broadcast %get3A_4 : vector<256x1xf32> to vector<256x128xf32>
    %add3A_1127 = vector.broadcast %slice3A_1125 : vector<1x128xf32> to vector<256x128xf32>
    %add3A_1128 = arith.addf %add3A_1126, %add3A_1127 : vector<256x128xf32>
    %mul3A_1129 = arith.constant 2.000000e+00 : f32
    %mul3A_1130 = vector.broadcast %mul3A_1129 : f32 to vector<256x128xf32>
    %mul3A_1131 = arith.mulf %mul3A_1130, %slice3A_1121 : vector<256x128xf32>
    %sub3A_1132 = arith.subf %add3A_1128, %mul3A_1131 : vector<256x128xf32>
    %lt3A_1133 = arith.cmpf olt, %sub3A_1132, %select_n3A_1116 : vector<256x128xf32>
    %select_n3A_1134 = arith.select %lt3A_1133, %sub3A_1132, %select_n3A_1116 : vector<256x128xi1>, vector<256x128xf32>
    %add3A_1135 = arith.constant 7680 : i32
    %add3A_1136 = vector.broadcast %add3A_1135 : i32 to vector<256x128xi32>
    %add3A_1137 = arith.addi %iota3A, %add3A_1136 : vector<256x128xi32>
    %select_n3A_1138 = arith.select %lt3A_1133, %add3A_1137, %select_n3A_1120 : vector<256x128xi1>, vector<256x128xi32>
    %slice3A_1139 = vector.extract_strided_slice %dot_general3A_1048 {offsets = [0, 640], sizes = [256, 128], strides = [1, 1]} : vector<256x1024xf32> to vector<256x128xf32>
    %get3A_1140 = arith.constant 0 : index
    %get3A_1141 = arith.constant 0 : index
    %get3A_1142 = vector.load %arg4[%get3A_1140, %get3A_1141] : memref<1x8192xf32, #tpu.memory_space<vmem>>, vector<1x8192xf32>
    %slice3A_1143 = vector.extract_strided_slice %get3A_1142 {offsets = [0, 7808], sizes = [1, 128], strides = [1, 1]} : vector<1x8192xf32> to vector<1x128xf32>
    %add3A_1144 = vector.broadcast %get3A_4 : vector<256x1xf32> to vector<256x128xf32>
    %add3A_1145 = vector.broadcast %slice3A_1143 : vector<1x128xf32> to vector<256x128xf32>
    %add3A_1146 = arith.addf %add3A_1144, %add3A_1145 : vector<256x128xf32>
    %mul3A_1147 = arith.constant 2.000000e+00 : f32
    %mul3A_1148 = vector.broadcast %mul3A_1147 : f32 to vector<256x128xf32>
    %mul3A_1149 = arith.mulf %mul3A_1148, %slice3A_1139 : vector<256x128xf32>
    %sub3A_1150 = arith.subf %add3A_1146, %mul3A_1149 : vector<256x128xf32>
    %lt3A_1151 = arith.cmpf olt, %sub3A_1150, %select_n3A_1134 : vector<256x128xf32>
    %select_n3A_1152 = arith.select %lt3A_1151, %sub3A_1150, %select_n3A_1134 : vector<256x128xi1>, vector<256x128xf32>
    %add3A_1153 = arith.constant 7808 : i32
    %add3A_1154 = vector.broadcast %add3A_1153 : i32 to vector<256x128xi32>
    %add3A_1155 = arith.addi %iota3A, %add3A_1154 : vector<256x128xi32>
    %select_n3A_1156 = arith.select %lt3A_1151, %add3A_1155, %select_n3A_1138 : vector<256x128xi1>, vector<256x128xi32>
    %slice3A_1157 = vector.extract_strided_slice %dot_general3A_1048 {offsets = [0, 768], sizes = [256, 128], strides = [1, 1]} : vector<256x1024xf32> to vector<256x128xf32>
    %get3A_1158 = arith.constant 0 : index
    %get3A_1159 = arith.constant 0 : index
    %get3A_1160 = vector.load %arg4[%get3A_1158, %get3A_1159] : memref<1x8192xf32, #tpu.memory_space<vmem>>, vector<1x8192xf32>
    %slice3A_1161 = vector.extract_strided_slice %get3A_1160 {offsets = [0, 7936], sizes = [1, 128], strides = [1, 1]} : vector<1x8192xf32> to vector<1x128xf32>
    %add3A_1162 = vector.broadcast %get3A_4 : vector<256x1xf32> to vector<256x128xf32>
    %add3A_1163 = vector.broadcast %slice3A_1161 : vector<1x128xf32> to vector<256x128xf32>
    %add3A_1164 = arith.addf %add3A_1162, %add3A_1163 : vector<256x128xf32>
    %mul3A_1165 = arith.constant 2.000000e+00 : f32
    %mul3A_1166 = vector.broadcast %mul3A_1165 : f32 to vector<256x128xf32>
    %mul3A_1167 = arith.mulf %mul3A_1166, %slice3A_1157 : vector<256x128xf32>
    %sub3A_1168 = arith.subf %add3A_1164, %mul3A_1167 : vector<256x128xf32>
    %lt3A_1169 = arith.cmpf olt, %sub3A_1168, %select_n3A_1152 : vector<256x128xf32>
    %select_n3A_1170 = arith.select %lt3A_1169, %sub3A_1168, %select_n3A_1152 : vector<256x128xi1>, vector<256x128xf32>
    %add3A_1171 = arith.constant 7936 : i32
    %add3A_1172 = vector.broadcast %add3A_1171 : i32 to vector<256x128xi32>
    %add3A_1173 = arith.addi %iota3A, %add3A_1172 : vector<256x128xi32>
    %select_n3A_1174 = arith.select %lt3A_1169, %add3A_1173, %select_n3A_1156 : vector<256x128xi1>, vector<256x128xi32>
    %slice3A_1175 = vector.extract_strided_slice %dot_general3A_1048 {offsets = [0, 896], sizes = [256, 128], strides = [1, 1]} : vector<256x1024xf32> to vector<256x128xf32>
    %get3A_1176 = arith.constant 0 : index
    %get3A_1177 = arith.constant 0 : index
    %get3A_1178 = vector.load %arg4[%get3A_1176, %get3A_1177] : memref<1x8192xf32, #tpu.memory_space<vmem>>, vector<1x8192xf32>
    %slice3A_1179 = vector.extract_strided_slice %get3A_1178 {offsets = [0, 8064], sizes = [1, 128], strides = [1, 1]} : vector<1x8192xf32> to vector<1x128xf32>
    %add3A_1180 = vector.broadcast %get3A_4 : vector<256x1xf32> to vector<256x128xf32>
    %add3A_1181 = vector.broadcast %slice3A_1179 : vector<1x128xf32> to vector<256x128xf32>
    %add3A_1182 = arith.addf %add3A_1180, %add3A_1181 : vector<256x128xf32>
    %mul3A_1183 = arith.constant 2.000000e+00 : f32
    %mul3A_1184 = vector.broadcast %mul3A_1183 : f32 to vector<256x128xf32>
    %mul3A_1185 = arith.mulf %mul3A_1184, %slice3A_1175 : vector<256x128xf32>
    %sub3A_1186 = arith.subf %add3A_1182, %mul3A_1185 : vector<256x128xf32>
    %lt3A_1187 = arith.cmpf olt, %sub3A_1186, %select_n3A_1170 : vector<256x128xf32>
    %select_n3A_1188 = arith.select %lt3A_1187, %sub3A_1186, %select_n3A_1170 : vector<256x128xi1>, vector<256x128xf32>
    %add3A_1189 = arith.constant 8064 : i32
    %add3A_1190 = vector.broadcast %add3A_1189 : i32 to vector<256x128xi32>
    %add3A_1191 = arith.addi %iota3A, %add3A_1190 : vector<256x128xi32>
    %select_n3A_1192 = arith.select %lt3A_1187, %add3A_1191, %select_n3A_1174 : vector<256x128xi1>, vector<256x128xi32>
    %reduce_min3A = arith.constant dense<0x7F800000> : vector<256xf32>
    %reduce_min3A_1193 = vector.multi_reduction <minimumf>, %select_n3A_1188, %reduce_min3A [1] : vector<256x128xf32> to vector<256xf32>
    %broadcast_in_dim3A_1194 = vector.shape_cast %reduce_min3A_1193 : vector<256xf32> to vector<256x1xf32>
    %eq3A = vector.broadcast %broadcast_in_dim3A_1194 : vector<256x1xf32> to vector<256x128xf32>
    %eq3A_1195 = arith.cmpf oeq, %select_n3A_1188, %eq3A : vector<256x128xf32>
    %jit3A = arith.constant 8192 : i32
    %broadcast_in_dim3A_1196 = vector.broadcast %jit3A : i32 to vector<256x128xi32>
    %select_n3A_1197 = arith.select %eq3A_1195, %select_n3A_1192, %broadcast_in_dim3A_1196 : vector<256x128xi1>, vector<256x128xi32>
    %reduce_min3A_1198 = arith.constant dense<2147483647> : vector<256xi32>
    %reduce_min3A_1199 = vector.multi_reduction <minsi>, %select_n3A_1197, %reduce_min3A_1198 [1] : vector<256x128xi32> to vector<256xi32>
    %broadcast_in_dim3A_1200 = vector.shape_cast %reduce_min3A_1199 : vector<256xi32> to vector<256x1xi32>
    %swap3A = arith.constant 0 : index
    %swap3A_1201 = arith.constant 0 : index
    %swap3A_1202 = vector.load %arg5[%swap3A, %swap3A_1201] : memref<256x1xi32, #tpu.memory_space<vmem>>, vector<256x1xi32>
    tpu.vector_store %arg5[%swap3A, %swap3A_1201], %broadcast_in_dim3A_1200 {strides = array<i32>} : memref<256x1xi32, #tpu.memory_space<vmem>>, vector<256x1xi32>,
    %swap3A_1203 = arith.constant 0 : index
    %swap3A_1204 = arith.constant 0 : index
    %swap3A_1205 = vector.load %arg6[%swap3A_1203, %swap3A_1204] : memref<256x1xf32, #tpu.memory_space<vmem>>, vector<256x1xf32>
    tpu.vector_store %arg6[%swap3A_1203, %swap3A_1204], %broadcast_in_dim3A_1194 {strides = array<i32>} : memref<256x1xf32, #tpu.memory_space<vmem>>, vector<256x1xf32>,
    return
  }
  func.func @transform_0(%arg0: i32) -> (i32, i32) {
    %c0_i32 = arith.constant 0 : i32
    %c0_i32_0 = arith.constant 0 : i32
    return %arg0, %c0_i32 : i32, i32
  }
  func.func @transform_1(%arg0: i32) -> (i32, i32) {
    %c0_i32 = arith.constant 0 : i32
    %c0_i32_0 = arith.constant 0 : i32
    %c0_i32_1 = arith.constant 0 : i32
    return %c0_i32, %c0_i32_0 : i32, i32
  }
  func.func @transform_2(%arg0: i32) -> (i32, i32) {
    %c0_i32 = arith.constant 0 : i32
    %c0_i32_0 = arith.constant 0 : i32
    return %arg0, %c0_i32 : i32, i32
  }
  func.func @transform_3(%arg0: i32) -> (i32, i32) {
    %c0_i32 = arith.constant 0 : i32
    %c0_i32_0 = arith.constant 0 : i32
    %c0_i32_1 = arith.constant 0 : i32
    return %c0_i32, %c0_i32_0 : i32, i32
  }
  func.func @transform_4(%arg0: i32) -> (i32, i32) {
    %c0_i32 = arith.constant 0 : i32
    %c0_i32_0 = arith.constant 0 : i32
    return %arg0, %c0_i32 : i32, i32
  }
  func.func @transform_5(%arg0: i32) -> (i32, i32) {
    %c0_i32 = arith.constant 0 : i32
    %c0_i32_0 = arith.constant 0 : i32
    return %arg0, %c0_i32 : i32, i32
  }
}

module attributes {stable_mosaic.version = 14 : i64} {
  func.func @_stats_body(%arg0: i32, %arg1: memref<64x128xf32, #tpu.memory_space<vmem>>, %arg2: memref<64x128xf32, #tpu.memory_space<vmem>>, %arg3: memref<1x1xf32, #tpu.memory_space<vmem>>, %arg4: memref<1x1xf32, #tpu.memory_space<vmem>>) attributes {dimension_semantics = [#tpu.dimension_semantics<arbitrary>], iteration_bounds = array<i64: 1>, scalar_prefetch = 0 : i64, scratch_operands = 0 : i64, tpu.core_type = #tpu.core_type<tc>, window_params = [{pipeline_mode = #tpu.pipeline_mode<synchronous>, transform_indices = @transform_0, window_bounds = array<i64: 64, 128>}, {pipeline_mode = #tpu.pipeline_mode<synchronous>, transform_indices = @transform_1, window_bounds = array<i64: 64, 128>}, {pipeline_mode = #tpu.pipeline_mode<synchronous>, transform_indices = @transform_2, window_bounds = array<i64: 1, 1>}, {pipeline_mode = #tpu.pipeline_mode<synchronous>, transform_indices = @transform_3, window_bounds = array<i64: 1, 1>}]} {
    %get3A = arith.constant 0 : index
    %get3A_0 = arith.constant 0 : index
    %get3A_1 = vector.load %arg1[%get3A, %get3A_0] : memref<64x128xf32, #tpu.memory_space<vmem>>, vector<64x128xf32>
    %mul3A = arith.constant 1.22070313E-4 : f32
    %mul3A_2 = vector.broadcast %mul3A : f32 to vector<64x128xf32>
    %mul3A_3 = arith.mulf %get3A_1, %mul3A_2 : vector<64x128xf32>
    %add3A = arith.constant 1.000000e-10 : f32
    %add3A_4 = vector.broadcast %add3A : f32 to vector<64x128xf32>
    %add3A_5 = arith.addf %mul3A_3, %add3A_4 : vector<64x128xf32>
    %log3A = math.log %add3A_5 : vector<64x128xf32>
    %mul3A_6 = arith.mulf %mul3A_3, %log3A : vector<64x128xf32>
    %reduce_sum3A = vector.shape_cast %mul3A_6 : vector<64x128xf32> to vector<1x64x128xf32>
    %reduce_sum3A_7 = arith.constant dense<0.000000e+00> : vector<1xf32>
    %reduce_sum3A_8 = vector.multi_reduction <add>, %reduce_sum3A, %reduce_sum3A_7 [1, 2] : vector<1x64x128xf32> to vector<1xf32>
    %reduce_sum3A_9 = vector.shape_cast %reduce_sum3A_8 : vector<1xf32> to vector<1x1x1xf32>
    %reduce_sum3A_10 = vector.extract %reduce_sum3A_9[0, 0, 0] : f32 from vector<1x1x1xf32>
    %neg3A = arith.constant 0.000000e+00 : f32
    %neg3A_11 = arith.subf %neg3A, %reduce_sum3A_10 : f32
    %exp3A = math.exp %neg3A_11 : f32
    %broadcast_in_dim3A = arith.constant 1.000000e+00 : f32
    %broadcast_in_dim3A_12 = vector.broadcast %broadcast_in_dim3A : f32 to vector<1x1xf32>
    %mul3A_13 = vector.broadcast %exp3A : f32 to vector<1x1xf32>
    %mul3A_14 = arith.mulf %mul3A_13, %broadcast_in_dim3A_12 : vector<1x1xf32>
    %swap3A = arith.constant 0 : index
    %swap3A_15 = arith.constant 0 : index
    %swap3A_16 = vector.load %arg4[%swap3A, %swap3A_15] : memref<1x1xf32, #tpu.memory_space<vmem>>, vector<1x1xf32>
    tpu.vector_store %arg4[%swap3A, %swap3A_15], %mul3A_14 {strides = array<i32>} : memref<1x1xf32, #tpu.memory_space<vmem>>, vector<1x1xf32>,
    %get3A_17 = arith.constant 0 : index
    %get3A_18 = arith.constant 0 : index
    %get3A_19 = vector.load %arg2[%get3A_17, %get3A_18] : memref<64x128xf32, #tpu.memory_space<vmem>>, vector<64x128xf32>
    %reduce_sum3A_20 = vector.shape_cast %get3A_19 : vector<64x128xf32> to vector<1x64x128xf32>
    %reduce_sum3A_21 = arith.constant dense<0.000000e+00> : vector<1xf32>
    %reduce_sum3A_22 = vector.multi_reduction <add>, %reduce_sum3A_20, %reduce_sum3A_21 [1, 2] : vector<1x64x128xf32> to vector<1xf32>
    %reduce_sum3A_23 = vector.shape_cast %reduce_sum3A_22 : vector<1xf32> to vector<1x1x1xf32>
    %reduce_sum3A_24 = vector.extract %reduce_sum3A_23[0, 0, 0] : f32 from vector<1x1x1xf32>
    %mul3A_25 = arith.constant 2.38418579E-6 : f32
    %mul3A_26 = arith.mulf %reduce_sum3A_24, %mul3A_25 : f32
    %broadcast_in_dim3A_27 = arith.constant 1.000000e+00 : f32
    %broadcast_in_dim3A_28 = vector.broadcast %broadcast_in_dim3A_27 : f32 to vector<1x1xf32>
    %mul3A_29 = vector.broadcast %mul3A_26 : f32 to vector<1x1xf32>
    %mul3A_30 = arith.mulf %mul3A_29, %broadcast_in_dim3A_28 : vector<1x1xf32>
    %swap3A_31 = arith.constant 0 : index
    %swap3A_32 = arith.constant 0 : index
    %swap3A_33 = vector.load %arg3[%swap3A_31, %swap3A_32] : memref<1x1xf32, #tpu.memory_space<vmem>>, vector<1x1xf32>
    tpu.vector_store %arg3[%swap3A_31, %swap3A_32], %mul3A_30 {strides = array<i32>} : memref<1x1xf32, #tpu.memory_space<vmem>>, vector<1x1xf32>,
    return
  }
  func.func @transform_0(%arg0: i32) -> (i32, i32) {
    %c0_i32 = arith.constant 0 : i32
    %c0_i32_0 = arith.constant 0 : i32
    %c0_i32_1 = arith.constant 0 : i32
    return %c0_i32, %c0_i32_0 : i32, i32
  }
  func.func @transform_1(%arg0: i32) -> (i32, i32) {
    %c0_i32 = arith.constant 0 : i32
    %c0_i32_0 = arith.constant 0 : i32
    %c0_i32_1 = arith.constant 0 : i32
    return %c0_i32, %c0_i32_0 : i32, i32
  }
  func.func @transform_2(%arg0: i32) -> (i32, i32) {
    %c0_i32 = arith.constant 0 : i32
    %c0_i32_0 = arith.constant 0 : i32
    %c0_i32_1 = arith.constant 0 : i32
    return %c0_i32, %c0_i32_0 : i32, i32
  }
  func.func @transform_3(%arg0: i32) -> (i32, i32) {
    %c0_i32 = arith.constant 0 : i32
    %c0_i32_0 = arith.constant 0 : i32
    %c0_i32_1 = arith.constant 0 : i32
    return %c0_i32, %c0_i32_0 : i32, i32
  }
}

</mosaic_0001>

<sc_bundles>
// kernel: kernel.5.cloned.1.call-start
scs
__scs_entry_jumppad:
0x0: {  	(pc) =	sbr.rel $0x88, $3  }
0x1: {  	(tag) =	ssettag $0x0;
	lr =	simm.s32 $0x1  }
0x2: {  	[smem:$0x3F9F] =	sst lr;
	_ =	strace $0xD0000000  }
0x3: {  	_ = 	snop  }
0x4: {  	_ = 	snop  }
0x5: {  	_ = 	snop  }
0x6: {  	_ = 	snop  }
0x7: {  	_ = 	snop  }
__scs_overlays_trampoline_lowered:
0x8: {  	[smem:$0x3FAE] =	sst s0  }
0x9: {  	[smem:$0x3FAF] =	sst s1  }
0xa: {  	[smem:$0x3FB0] =	sst s2  }
0xb: {  	[smem:$0x3FB1] =	sst s3  }
0xc: {  	[smem:$0x3FB2] =	sst s4  }
0xd: {  	[smem:$0x3FB3] =	sst s5  }
0xe: {  	[smem:$0x3FB4] =	sst s6  }
0xf: {  	[smem:$0x3FB5] =	sst s7  }
0x10: {  	[smem:$0x3FB6] =	sst s8  }
0x11: {  	[smem:$0x3FB7] =	sst s9;
	s0 =	simm.s32 @!p0 $0x0  }
0x12: {  	s1 =	sld [smem:$0x3F9D];
	s0 =	simm.s32 @p0 $0x1  }
0x13: {  	[smem:$0x3FB8] =	sst s0;
	s0 =	simm.s32 @!p1 $0x0  }
0x14: {  	s2 =	sld [smem:$0x3F9C];
	s0 =	simm.s32 @p1 $0x1  }
0x15: {  	[smem:$0x3FB9] =	sst s0;
	s0 =	simm.s32 @!p2 $0x0  }
0x16: {  	s3 =	sld [smem:$0x3FDB];
	s0 =	simm.s32 @p2 $0x1  }
0x17: {  	s4 =	simm.s32 $0x1BF5;
	[smem:$0x3FBB] =	sst s0  }
0x18: {  	s0 =	sld [smem:$0x3F9E];
	_ =	swait.ge [sflag:s4], $0x0  }
0x19: {  	s7 =	sld [smem:$0x3F9F]  }
0x1a: {  	s8 =	sadd.s32 $0xFFFFE003, lr  }
0x1b: {  	s9 =	sadd.s32 $0xFFFFFEF7, lr;
	s5 =	simm.s32 $0xFFFFFFFF;
	p2 =	slt.u32 s8, $0xFFFFF086  }
0x1c: {  	p1 =	slt.u32 s9, $0xF7A;
	s5 =	simm.s32 @!p2 $0x0  }
0x1d: {  	s5 =	simm.s32 @p1 $0x1;
	p0 =	seq.s32 s7, s2  }
0x1e: {  	s7 =	smul.u32 @!p0 $0xF7A, s2;
	p2 =	seq.s32 @!p0 s5, $0x0  }
0x1f: {  	s9 =	smul.u32 $0xF7A, s1;
	s8 =	simm.s32 @!p0 $0x1BF5;
	p2 =	por !p2, p0  }
0x20: {  	[sflag:s8] =	ssyncset.s32 @!p0 $0xFFFFF086;
	s6 =	sadd.s32 @!p0 s3, s7;
	s7 =	simm.s32 @!p0 $0x108  }
0x21: {  	s3 =	sadd.s32 s3, s9;
	s6 =	sadd.s32 @!p0 $0x88, s6;
	s7 =	simm.s32 @p2 $0x1082  }
0x22: {  	[simem:s7], [sflag:s8] =	dma.local @!p0 [hbm:s6], $0xF7A  }
0x23: {  	s9 =	sor.u32 $0xD0000000, s2;
	s6 =	simm.s32 $0x108;
	_ =	swait.ge @!p0 [sflag:s8], $0x0  }
0x24: {  	s3 =	sadd.s32 $0x88, s3;
	s6 =	simm.s32 @!p1 $0x1082;
	[sflag:s4] =	ssyncset.s32 $0xFFFFF086  }
0x25: {  	[simem:s6], [sflag:s4] =	dma.local [hbm:s3], $0xF7A  }
0x26: {  	[smem:$0x3F9F] =	sst s1;
	(tag) =	ssettag s2;
	_ =	strace s9  }
0x27: {  	s1 =	sld [smem:$0x3FAF]  }
0x28: {  	s2 =	sld [smem:$0x3FB0]  }
0x29: {  	s4 =	sld [smem:$0x3FB2]  }
0x2a: {  	p0 =	seq.s32 s5, $0x0;
	s5 =	sld [smem:$0x3FB3]  }
0x2b: {  	s6 =	sld [smem:$0x3FB4]  }
0x2c: {  	s7 =	sld [smem:$0x3FB5]  }
0x2d: {  	s3 =	simm.s32 $0x108;
	s8 =	sld [smem:$0x3FB6]  }
0x2e: {  	s3 =	simm.s32 @!p0 $0x1082;
	s9 =	sld [smem:$0x3FB7]  }
0x2f: {  	lr =	sadd.s32 s0, s3;
	s0 =	sld [smem:$0x3FAE]  }
0x30: {  	s3 =	sld [smem:$0x3FB1]  }
0x31: {  	[smem:$0x3FBA] =	sst s10  }
0x32: {  	s10 =	sld [smem:$0x3FB8];
	_ =	sdelay $0x3  }
0x33: {  	p0 =	seq.s32 s10, $0x1;
	s10 =	sld [smem:$0x3FBA];
	_ =	sdelay $0x3  }
0x34: {  	[smem:$0x3FBA] =	sst s10  }
0x35: {  	s10 =	sld [smem:$0x3FB9];
	_ =	sdelay $0x3  }
0x36: {  	p1 =	seq.s32 s10, $0x1;
	s10 =	sld [smem:$0x3FBA];
	_ =	sdelay $0x3  }
0x37: {  	[smem:$0x3FBA] =	sst s10  }
0x38: {  	s10 =	sld [smem:$0x3FBB]  }
0x39: {  	_ = 	snop;
	(pc) =	sbr.ind lr, $3  }
0x3a: {  	_ = 	snop  }
0x3b: {  	_ = 	snop  }
0x3c: {  	p2 =	seq.s32 s10, $0x1;
	s10 =	sld [smem:$0x3FBA]  }
0x3d: {  	_ =	shalt  }
0x3e: {  	_ =	shalt  }
0x3f: {  	_ =	shalt  }
0x40: {  	_ =	shalt  }
0x41: {  	_ =	shalt  }
0x42: {  	_ =	shalt  }
0x43: {  	_ =	shalt  }
0x44: {  	_ =	shalt  }
0x45: {  	_ =	shalt  }
0x46: {  	_ =	shalt  }
0x47: {  	_ =	shalt  }
0x48: {  	_ =	shalt  }
0x49: {  	_ =	shalt  }
0x4a: {  	_ =	shalt  }
0x4b: {  	_ =	shalt  }
0x4c: {  	_ =	shalt  }
0x4d: {  	_ =	shalt  }
0x4e: {  	_ =	shalt  }
0x4f: {  	_ =	shalt  }
0x50: {  	_ =	shalt  }
0x51: {  	_ =	shalt  }
0x52: {  	_ =	shalt  }
0x53: {  	_ =	shalt  }
0x54: {  	_ =	shalt  }
0x55: {  	_ =	shalt  }
0x56: {  	_ =	shalt  }
0x57: {  	_ =	shalt  }
0x58: {  	_ =	shalt  }
0x59: {  	_ =	shalt  }
0x5a: {  	_ =	shalt  }
0x5b: {  	_ =	shalt  }
0x5c: {  	_ =	shalt  }
0x5d: {  	_ =	shalt  }
0x5e: {  	_ =	shalt  }
0x5f: {  	_ =	shalt  }
0x60: {  	_ =	shalt  }
0x61: {  	_ =	shalt  }
0x62: {  	_ =	shalt  }
0x63: {  	_ =	shalt  }
0x64: {  	_ =	shalt  }
0x65: {  	_ =	shalt  }
0x66: {  	_ =	shalt  }
0x67: {  	_ =	shalt  }
0x68: {  	_ =	shalt  }
0x69: {  	_ =	shalt  }
0x6a: {  	_ =	shalt  }
0x6b: {  	_ =	shalt  }
0x6c: {  	_ =	shalt  }
0x6d: {  	_ =	shalt  }
0x6e: {  	_ =	shalt  }
0x6f: {  	_ =	shalt  }
0x70: {  	_ =	shalt  }
0x71: {  	_ =	shalt  }
0x72: {  	_ =	shalt  }
0x73: {  	_ =	shalt  }
0x74: {  	_ =	shalt  }
0x75: {  	_ =	shalt  }
0x76: {  	_ =	shalt  }
0x77: {  	_ =	shalt  }
0x78: {  	_ =	shalt  }
0x79: {  	_ =	shalt  }
0x7a: {  	_ =	shalt  }
0x7b: {  	_ =	shalt  }
0x7c: {  	_ =	shalt  }
0x7d: {  	_ =	shalt  }
0x7e: {  	_ =	shalt  }
0x7f: {  	_ =	shalt  }
0x80: {  	_ =	shalt  }
0x81: {  	_ =	shalt  }
0x82: {  	_ =	shalt  }
0x83: {  	_ =	shalt  }
0x84: {  	_ =	shalt  }
0x85: {  	_ =	shalt  }
0x86: {  	_ =	shalt  }
0x87: {  	_ =	shalt  }
.Lfunc_end0:
.L_simem_size_0:
called_computation_lowered:
.L_overlay_start_0:
0x88: {  	s2 =	sld [smem:$0x3FD9]  }
0x89: {  	s3 =	sld [smem:$0x3FFE];
	_ =	sdelay $0x1  }
0x8a: {  	s1 =	srdreg.scid  }
0x8b: {  	s0 =	sand.u32 $0x1, s1  }
0x8c: {  	s14 =	sshll.u32 s0, $0xA;
	s2 =	sadd.s32 s3, s2  }
0x8d: {  	s2 =	sadd.s32 s2, s14  }
0x8e: {  	[smem:$0x3FC6] =	sst s2  }
0x8f: {  	_ = 	snop  }
0x90: {  	s2 =	sld [smem:$0x3FD0];
	_ =	sdelay $0x2  }
0x91: {  	s15 =	simm.s32 $0xA;
	s4 =	simm.s32 $0x10  }
0x92: {  	[smem:s4], [sflag:s15] =	dma.local [hbm:s2], $0x1  }
0x93: {  	_ =	swait.eq [sflag:s15], $0x1  }
0x94: {  	[sflag:s15] =	ssyncset.done $0x0  }
0x95: {  	[sflag:s15] =	ssyncadd.s32 $0xFFFFFFFF  }
0x96: {  	s16 =	sld [smem:$0x10];
	(tm) =	ssettm $0x1  }
0x97: {  	s17 =	sld [smem:$0x3FFB];
	_ =	sdelay $0x3  }
0x98: {  	_ =	strace s17  }
0x99: {  	s3 =	sld [smem:$0x3FFC];
	_ =	sdelay $0x3  }
0x9a: {  	_ =	strace s3  }
0x9b: {  	s3 =	sld [smem:$0x3FFD];
	_ =	sdelay $0x3  }
0x9c: {  	_ =	strace s3  }
0x9d: {  	_ =	strace $0x8FFFFFFF  }
0x9e: {  	s18 =	sld [smem:$0x3FDB];
	_ =	sdelay $0x1  }
0x9f: {  	s19 =	simm.s32 $_scs_section_size  }
0xa0: {  	s5 =	simm.s32 $_size__tile_overlayer_lowered;
	s6 =	simm.s32 $_tile_overlayer_lowered  }
0xa1: {  	s22 =	simm.s32 $0x1BFF;
	s21 =	sshll.u32 s6, $0x1;
	s3 =	sadd.s32 s19, s18  }
0xa2: {  	s7 =	simm.s32 $0x0;
	s20 =	sshll.u32 s5, $0x1;
	s5 =	sadd.s32 s21, s3  }
0xa3: {  	[timem:s7], [sflag:s22] =	dma.local [hbm:s5], s20  }
0xa4: {  	_ =	swait.ge [sflag:s22], s20  }
0xa5: {  	s4 =	ssub.s32 $0x0, s20;
	[sflag:s22] =	ssyncset.done $0x0  }
0xa6: {  	[sflag:s22] =	ssyncadd.s32 s4;
	_ =	sdelay $0x1  }
0xa7: {  	s23 =	simm.s32 $0x1B8B  }
0xa8: {  	_ =	swait.ge [sflag:s23], $0x1  }
0xa9: {  	[sflag:s23] =	ssyncset.done $0x0  }
0xaa: {  	s25 =	simm.s32 $0x1B8E;
	s24 =	sld [smem:$0x3FFE];
	[sflag:s23] =	ssyncadd.s32 $0xFFFFFFFF  }
0xab: {  	s26 =	simm.s32 $execute0_lowered;
	[smem:$0x3FD2] =	sst s25  }
0xac: {  	s5 =	sshll.u32 s26, $0x1;
	_ =	strace $0x80000046;
	[dreg:$0x1] =	wrdreg $0xFFFFFFFF  }
0xad: {  	s28 =	simm.s32 $_size_execute0_lowered;
	s3 =	sadd.s32 s3, s5;
	[dreg:$0x0] =	wrdreg $0x0  }
0xae: {  	s5 =	sshll.u32 s28, $0x1;
	[dreg:$0x2] =	wrdreg s3  }
0xaf: {  	[dreg:$0x3] =	wrdreg s5  }
0xb0: {  	[dreg:$0x4] =	wrdreg $0xC0  }
0xb1: {  	_ =	task [dreg:s7], $0x5FFFF  }
0xb2: {  	[dreg:$0x1] =	wrdreg $0xFFFFFFFF  }
0xb3: {  	[dreg:$0x0] =	wrdreg $0x60  }
0xb4: {  	[dreg:$0x2] =	wrdreg s16  }
0xb5: {  	[dreg:$0x3] =	wrdreg s24  }
0xb6: {  	[dreg:$0x4] =	wrdreg $0x6B000  }
0xb7: {  	[dreg:$0x5] =	wrdreg $0x9  }
0xb8: {  	_ =	task.clear_ibuf [dreg:s7], $0x6FFFF;
	_ =	strace $0x90000046  }
0xb9: {  	s29 =	simm.s32 $0x9;
	_ =	strace $0x80000048  }
0xba: {  	_ =	swait.ge [sflag:s29], $0x1  }
0xbb: {  	[sflag:s29] =	ssyncadd.s32 $0xFFFFFFFF  }
0xbc: {  	_ =	strace $0x90000048  }
0xbd: {  	_ =	sfence  }
0xbe: {  	s30 =	sld [smem:$0x0];
	_ =	sdelay $0x2  }
0xbf: {  	s31 =	sshll.u32 s1, $0xD;
	s1 =	sshrl.u32 s1, $0x2  }
0xc0: {  	s3 =	sand.u32 $0x4000, s31;
	s1 =	sadd.s32 s1, s30  }
0xc1: {  	s0 =	sor.u32 s3, s0;
	s1 =	sshll.u32 s1, $0x11  }
0xc2: {  	s0 =	sor.u32 s1, s0  }
0xc3: {  	s0 =	sadd.s32 $0x8F2B, s0  }
0xc4: {  	[sflag:s0] =	ssyncadd.remote.s32 $0x1  }
0xc5: {  	_ =	sfence.sel $0xFFFF  }
0xc6: {  	[dreg:$0x0] =	wrdreg $0xFFFFFFFF;
	(pc) =	sbr.abs _section_cstart, $3  }
0xc7: {  	[dreg:$0x1] =	wrdreg $0xFFFFFFFF  }
0xc8: {  	_ =	task.clear_ibuf [dreg:s7], $0x2FFFF;
	_ =	strace $0x9FFFFFFF  }
0xc9: {  	(tm) =	ssettm $0x7FFFFFFF  }
tec
execute0_lowered:
.L_overlay_start_1:
0x0: {  	(tag) =	ssettag $0x1  }
0x1: {  	s2 =	rddreg [dreg:$0x0]  }
0x2: {  	s20 =	rddreg [dreg:$0x1]  }
0x3: {  	s0 =	stileid.u32;
	s1 =	srdreg.scid  }
0x4: {  	s3 =	rddreg [dreg:$0x2];
	s21 =	sand.u32 $0x1, s1;
	s5 =	sshll.u32 s0, $0x1  }
0x5: {  	s4 =	simm.s32 $0x0;
	s1 =	rddreg [dreg:$0x3];
	s22 =	sor.u32 s21, s5  }
0x6: {  	[smem:$0x7FF] =	sst s4;
	s5 =	sshll.u32 s22, $0x5  }
0x7: {  	_ =	strace $0x80000047;
	s6 =	sadd.s32 s20, s5;
	s5 =	simm.s32 $0x2  }
0x8: {  	[tilespmem:s4], [sflag:$0x2] =	stream.linear.gather [hbm4b:s6+s4], $0x100, $0x38;
	[tilespmem:$0x8B00] =	vst v63  }
0x9: {  	_ =	swait.ge [sflag:s5], $0x100  }
0xa: {  	[sflag:s5] =	ssyncset.done $0x0  }
0xb: {  	s7 =	simm.s32 $0x80;
	s8 =	simm.s32 $0x100;
	[sflag:s5] =	ssyncadd.s32 $0xFFFFFF00  }
0xc: {  	[tilespmem:s8], [sflag:$0x1] =	stream.indirect.gather [hbm4b:s2+s7], $0x40, s4, s7, $0xb8;
	[tilespmem:$0x8B00] =	vst v63  }
0xd: {  	s9 =	simm.s32 $0x2100;
	s10 =	sshll.u32 s0, $0xA  }
0xe: {  	[tilespmem:s9], [sflag:$0x1] =	stream.indirect.gather [hbm4b:s2+s7], $0x40, s7, s7, $0xb8;
	[tilespmem:$0x8B00] =	vst v63  }
0xf: {  	s11 =	simm.s32 $0x4100;
	s13 =	sadd.s32 s10, s20;
	s10 =	sadd.s32 $0x4400, s20  }
0x10: {  	[tilespmem:s11], [sflag:$0x2] =	stream.linear.gather [hbm4b:s10+s4], $0x800, $0x38;
	[tilespmem:$0x8B00] =	vst v63  }
0x11: {  	s17 =	sshll.u32 s0, $0x6;
	s12 =	sshll.u32 s0, $0xD;
	_ =	swait.ge [sflag:s5], $0x800  }
0x12: {  	s12 =	sadd.s32 s12, s3;
	s14 =	sor.u32 $0x1C02, s17;
	[sflag:s5] =	ssyncset.done $0x0  }
0x13: {  	s13 =	sadd.s32 $0x400, s13;
	s15 =	sshrl.u32 s12, $0x3;
	[sflag:s5] =	ssyncadd.s32 $0xFFFFF800  }
0x14: {  	[spmem:s15], [sflag:s14] =	dma.local [hbm:s13], $0x400  }
0x15: {  	_ =	swait.ge [sflag:s5], $0x400  }
0x16: {  	[sflag:s5] =	ssyncset.done $0x0  }
0x17: {  	[sflag:s5] =	ssyncadd.s32 $0xFFFFFC00  }
0x18: {  	[bflag:$0x0] =	sbarrier.arrive $0xFFFF  }
0x19: {  	[spmem:s3] =	stream.indirect.scatter.add.f32 [tilespmem:s11], [sflag:$0x2], $0x10, s4, s7, $0xb8;
	[tilespmem:$0x8B00] =	vst v63  }
0x1a: {  	_ =	swait.ge [sflag:s5], $0x800  }
0x1b: {  	[sflag:s5] =	ssyncset.done $0x0  }
0x1c: {  	[sflag:s5] =	ssyncadd.s32 $0xFFFFF800  }
0x1d: {  	[spmem:s3] =	stream.indirect.scatter.add.f32 [tilespmem:s11], [sflag:$0x2], $0x10, s7, s7, $0xb8;
	[tilespmem:$0x8B00] =	vst v63  }
0x1e: {  	_ =	swait.ge [sflag:s5], $0x800  }
0x1f: {  	v0 =	vlaneseq.u32;
	[sflag:s5] =	ssyncset.done $0x0  }
0x20: {  	v0 =	vmul.u32 $0x10, v0;
	[sflag:s5] =	ssyncadd.s32 $0xFFFFF800  }
0x21: {  	s16 =	simm.s32 $0x4900;
	[bflag:$0x0] =	sbarrier.arrive $0xFFFF  }
0x22: {  	[tilespmem:s16], [sflag:$0x2] =	stream.linear.gather [spmem:s12], $0x2000, $0x38;
	[tilespmem:$0x8B00] =	vst v63  }
0x23: {  	_ =	swait.ge [sflag:s5], $0x2000  }
0x24: {  	[sflag:s5] =	ssyncset.done $0x0  }
0x25: {  	[sflag:s5] =	ssyncadd.s32 $0xFFFFE000  }
0x26: {  	v2 =	vld.idx.msk [tilespmem:v0+s16+$0x0], $0xffff  }
0x27: {  	v1 =	vor.u32 $0x100, v0;
	_ =	sdelay $0x3  }
0x28: {  	[tilespmem:$0x6900] =	vst v2  }
0x29: {  	v3 =	vld.idx.msk [tilespmem:v1+s16+$0x0], $0xffff  }
0x2a: {  	v2 =	vor.u32 $0x200, v0;
	_ =	sdelay $0x3  }
0x2b: {  	[tilespmem:$0x6910] =	vst v3  }
0x2c: {  	v4 =	vld.idx.msk [tilespmem:v2+s16+$0x0], $0xffff  }
0x2d: {  	v3 =	vor.u32 $0x300, v0;
	_ =	sdelay $0x3  }
0x2e: {  	[tilespmem:$0x6920] =	vst v4  }
0x2f: {  	v5 =	vld.idx.msk [tilespmem:v3+s16+$0x0], $0xffff  }
0x30: {  	v4 =	vor.u32 $0x400, v0;
	_ =	sdelay $0x3  }
0x31: {  	[tilespmem:$0x6930] =	vst v5  }
0x32: {  	v6 =	vld.idx.msk [tilespmem:v4+s16+$0x0], $0xffff  }
0x33: {  	v5 =	vor.u32 $0x500, v0;
	_ =	sdelay $0x3  }
0x34: {  	[tilespmem:$0x6940] =	vst v6  }
0x35: {  	v7 =	vld.idx.msk [tilespmem:v5+s16+$0x0], $0xffff  }
0x36: {  	v6 =	vor.u32 $0x600, v0;
	_ =	sdelay $0x3  }
0x37: {  	[tilespmem:$0x6950] =	vst v7  }
0x38: {  	v8 =	vld.idx.msk [tilespmem:v6+s16+$0x0], $0xffff  }
0x39: {  	v7 =	vor.u32 $0x700, v0;
	_ =	sdelay $0x3  }
0x3a: {  	[tilespmem:$0x6960] =	vst v8  }
0x3b: {  	v9 =	vld.idx.msk [tilespmem:v7+s16+$0x0], $0xffff  }
0x3c: {  	v8 =	vor.u32 $0x800, v0;
	_ =	sdelay $0x3  }
0x3d: {  	[tilespmem:$0x6970] =	vst v9  }
0x3e: {  	v10 =	vld.idx.msk [tilespmem:v8+s16+$0x0], $0xffff  }
0x3f: {  	v9 =	vor.u32 $0x900, v0;
	_ =	sdelay $0x3  }
0x40: {  	[tilespmem:$0x6980] =	vst v10  }
0x41: {  	v11 =	vld.idx.msk [tilespmem:v9+s16+$0x0], $0xffff  }
0x42: {  	v10 =	vor.u32 $0xA00, v0;
	_ =	sdelay $0x3  }
0x43: {  	[tilespmem:$0x6990] =	vst v11  }
0x44: {  	v12 =	vld.idx.msk [tilespmem:v10+s16+$0x0], $0xffff  }
0x45: {  	v11 =	vor.u32 $0xB00, v0;
	_ =	sdelay $0x3  }
0x46: {  	[tilespmem:$0x69A0] =	vst v12  }
0x47: {  	v13 =	vld.idx.msk [tilespmem:v11+s16+$0x0], $0xffff  }
0x48: {  	v12 =	vor.u32 $0xC00, v0;
	_ =	sdelay $0x3  }
0x49: {  	[tilespmem:$0x69B0] =	vst v13  }
0x4a: {  	v14 =	vld.idx.msk [tilespmem:v12+s16+$0x0], $0xffff  }
0x4b: {  	v13 =	vor.u32 $0xD00, v0;
	_ =	sdelay $0x3  }
0x4c: {  	[tilespmem:$0x69C0] =	vst v14  }
0x4d: {  	v15 =	vld.idx.msk [tilespmem:v13+s16+$0x0], $0xffff  }
0x4e: {  	v14 =	vor.u32 $0xE00, v0;
	_ =	sdelay $0x3  }
0x4f: {  	[tilespmem:$0x69D0] =	vst v15  }
0x50: {  	v16 =	vld.idx.msk [tilespmem:v14+s16+$0x0], $0xffff  }
0x51: {  	v15 =	vor.u32 $0xF00, v0;
	_ =	sdelay $0x3  }
0x52: {  	[tilespmem:$0x69E0] =	vst v16  }
0x53: {  	v17 =	vld.idx.msk [tilespmem:v15+s16+$0x0], $0xffff  }
0x54: {  	v16 =	vor.u32 $0x1000, v0;
	_ =	sdelay $0x3  }
0x55: {  	[tilespmem:$0x69F0] =	vst v17  }
0x56: {  	v18 =	vld.idx.msk [tilespmem:v16+s16+$0x0], $0xffff  }
0x57: {  	v17 =	vor.u32 $0x1100, v0;
	_ =	sdelay $0x3  }
0x58: {  	[tilespmem:$0x6A00] =	vst v18  }
0x59: {  	v19 =	vld.idx.msk [tilespmem:v17+s16+$0x0], $0xffff  }
0x5a: {  	v18 =	vor.u32 $0x1200, v0;
	_ =	sdelay $0x3  }
0x5b: {  	[tilespmem:$0x6A10] =	vst v19  }
0x5c: {  	v20 =	vld.idx.msk [tilespmem:v18+s16+$0x0], $0xffff  }
0x5d: {  	v19 =	vor.u32 $0x1300, v0;
	_ =	sdelay $0x3  }
0x5e: {  	[tilespmem:$0x6A20] =	vst v20  }
0x5f: {  	v21 =	vld.idx.msk [tilespmem:v19+s16+$0x0], $0xffff  }
0x60: {  	v20 =	vor.u32 $0x1400, v0;
	_ =	sdelay $0x3  }
0x61: {  	[tilespmem:$0x6A30] =	vst v21  }
0x62: {  	v22 =	vld.idx.msk [tilespmem:v20+s16+$0x0], $0xffff  }
0x63: {  	v21 =	vor.u32 $0x1500, v0;
	_ =	sdelay $0x3  }
0x64: {  	[tilespmem:$0x6A40] =	vst v22  }
0x65: {  	v23 =	vld.idx.msk [tilespmem:v21+s16+$0x0], $0xffff  }
0x66: {  	v22 =	vor.u32 $0x1600, v0;
	_ =	sdelay $0x3  }
0x67: {  	[tilespmem:$0x6A50] =	vst v23  }
0x68: {  	v24 =	vld.idx.msk [tilespmem:v22+s16+$0x0], $0xffff  }
0x69: {  	v23 =	vor.u32 $0x1700, v0;
	_ =	sdelay $0x3  }
0x6a: {  	[tilespmem:$0x6A60] =	vst v24  }
0x6b: {  	v25 =	vld.idx.msk [tilespmem:v23+s16+$0x0], $0xffff  }
0x6c: {  	v24 =	vor.u32 $0x1800, v0;
	_ =	sdelay $0x3  }
0x6d: {  	[tilespmem:$0x6A70] =	vst v25  }
0x6e: {  	v26 =	vld.idx.msk [tilespmem:v24+s16+$0x0], $0xffff  }
0x6f: {  	v25 =	vor.u32 $0x1900, v0;
	_ =	sdelay $0x3  }
0x70: {  	[tilespmem:$0x6A80] =	vst v26  }
0x71: {  	v27 =	vld.idx.msk [tilespmem:v25+s16+$0x0], $0xffff  }
0x72: {  	v26 =	vor.u32 $0x1A00, v0;
	_ =	sdelay $0x3  }
0x73: {  	[tilespmem:$0x6A90] =	vst v27  }
0x74: {  	v28 =	vld.idx.msk [tilespmem:v26+s16+$0x0], $0xffff  }
0x75: {  	v27 =	vor.u32 $0x1B00, v0;
	_ =	sdelay $0x3  }
0x76: {  	[tilespmem:$0x6AA0] =	vst v28  }
0x77: {  	v29 =	vld.idx.msk [tilespmem:v27+s16+$0x0], $0xffff  }
0x78: {  	v28 =	vor.u32 $0x1C00, v0;
	_ =	sdelay $0x3  }
0x79: {  	[tilespmem:$0x6AB0] =	vst v29  }
0x7a: {  	v30 =	vld.idx.msk [tilespmem:v28+s16+$0x0], $0xffff  }
0x7b: {  	v29 =	vor.u32 $0x1D00, v0;
	_ =	sdelay $0x3  }
0x7c: {  	[tilespmem:$0x6AC0] =	vst v30  }
0x7d: {  	v31 =	vld.idx.msk [tilespmem:v29+s16+$0x0], $0xffff  }
0x7e: {  	v30 =	vor.u32 $0x1E00, v0;
	_ =	sdelay $0x3  }
0x7f: {  	[tilespmem:$0x6AD0] =	vst v31  }
0x80: {  	v32 =	vld.idx.msk [tilespmem:v30+s16+$0x0], $0xffff  }
0x81: {  	v31 =	vor.u32 $0x1F00, v0;
	_ =	sdelay $0x3  }
0x82: {  	[tilespmem:$0x6AE0] =	vst v32  }
0x83: {  	v32 =	vld.idx.msk [tilespmem:v31+s16+$0x0], $0xffff;
	_ =	sdelay $0x2  }
0x84: {  	s17 =	sadd.s32 s17, s20;
	s18 =	sshll.u32 s21, $0xA  }
0x85: {  	s17 =	sadd.s32 s18, s17  }
0x86: {  	s18 =	simm.s32 $0x6900;
	s17 =	sadd.s32 $0x4600, s17;
	[tilespmem:$0x6AF0] =	vst v32  }
0x87: {  	[hbm4b:s17+s4] =	stream.linear.scatter [tilespmem:s18], [sflag:$0x2], $0x200, $0x38;
	[tilespmem:$0x8B00] =	vst v63  }
0x88: {  	_ =	swait.ge [sflag:s5], $0x200  }
0x89: {  	[sflag:s5] =	ssyncset.done $0x0  }
0x8a: {  	s19 =	simm.s32 $0x1;
	s21 =	ssub.s32 $0x2, s21;
	[sflag:s5] =	ssyncadd.s32 $0xFFFFFE00  }
0x8b: {  	s23 =	sshrl.u32 s21, $0x1;
	_ =	swait.ge [sflag:s19], $0x2000  }
0x8c: {  	s21 =	ssub.s32 s21, s23;
	[sflag:s19] =	ssyncset.done $0x0  }
0x8d: {  	s21 =	smax.u32 s21, $0x1;
	[sflag:s19] =	ssyncadd.s32 $0xFFFFE000  }
0x8e: {  	s22 =	sshll.u32 s22, $0xB;
	p0 =	sne.s32 s21, $0x1;
	_ =	swait.ge [sflag:s19], $0x2000  }
.Ltmp0:
0x8f: {  	s20 =	sadd.s32 s22, s20;
	[sflag:s19] =	ssyncset.done $0x0;
	(pc) =	sbr.rel @!p0 .LBB2_2-.Ltmp0, $4  }
0x90: {  	s20 =	sadd.s32 $0x4E00, s20;
	[sflag:s19] =	ssyncadd.s32 $0xFFFFE000  }
0x91: {  	[hbm4b:s20+s4] =	stream.linear.scatter [tilespmem:s8], [sflag:$0x2], $0x4000, $0x38;
	[tilespmem:$0x8B00] =	vst v63  }
0x92: {  	_ =	swait.ge [sflag:s5], $0x4000  }
0x93: {  	s21 =	sadd.s32 $0xFFFFFFFF, s21;
	[sflag:s5] =	ssyncset.done $0x0  }
.LBB2_1:
0x94: {  	p0 =	sne.s32 s21, $0x1;
	s21 =	sadd.s32 $0xFFFFFFFF, s21;
	[sflag:s5] =	ssyncadd.s32 $0xFFFFC000  }
0x95: {  	[tilespmem:s4], [sflag:$0x2] =	stream.linear.gather [hbm4b:s6+s4], $0x100, $0x38;
	[tilespmem:$0x8B00] =	vst v63  }
0x96: {  	_ =	swait.ge [sflag:s5], $0x100  }
0x97: {  	[sflag:s5] =	ssyncset.done $0x0  }
0x98: {  	[sflag:s5] =	ssyncadd.s32 $0xFFFFFF00  }
0x99: {  	[tilespmem:s8], [sflag:$0x1] =	stream.indirect.gather [hbm4b:s2+s7], $0x40, s4, s7, $0xb8;
	[tilespmem:$0x8B00] =	vst v63  }
0x9a: {  	_ = 	snop  }
0x9b: {  	[tilespmem:s9], [sflag:$0x1] =	stream.indirect.gather [hbm4b:s2+s7], $0x40, s7, s7, $0xb8;
	[tilespmem:$0x8B00] =	vst v63  }
0x9c: {  	_ = 	snop  }
0x9d: {  	[tilespmem:s11], [sflag:$0x2] =	stream.linear.gather [hbm4b:s10+s4], $0x800, $0x38;
	[tilespmem:$0x8B00] =	vst v63  }
0x9e: {  	_ =	swait.ge [sflag:s5], $0x800  }
0x9f: {  	[sflag:s5] =	ssyncset.done $0x0  }
0xa0: {  	[sflag:s5] =	ssyncadd.s32 $0xFFFFF800  }
0xa1: {  	[spmem:s15], [sflag:s14] =	dma.local [hbm:s13], $0x400  }
0xa2: {  	_ =	swait.ge [sflag:s5], $0x400  }
0xa3: {  	[sflag:s5] =	ssyncset.done $0x0  }
0xa4: {  	[sflag:s5] =	ssyncadd.s32 $0xFFFFFC00  }
0xa5: {  	[bflag:$0x0] =	sbarrier.arrive $0xFFFF  }
0xa6: {  	[spmem:s3] =	stream.indirect.scatter.add.f32 [tilespmem:s11], [sflag:$0x2], $0x10, s4, s7, $0xb8;
	[tilespmem:$0x8B00] =	vst v63  }
0xa7: {  	_ =	swait.ge [sflag:s5], $0x800  }
0xa8: {  	[sflag:s5] =	ssyncset.done $0x0  }
0xa9: {  	[sflag:s5] =	ssyncadd.s32 $0xFFFFF800  }
0xaa: {  	[spmem:s3] =	stream.indirect.scatter.add.f32 [tilespmem:s11], [sflag:$0x2], $0x10, s7, s7, $0xb8;
	[tilespmem:$0x8B00] =	vst v63  }
0xab: {  	_ =	swait.ge [sflag:s5], $0x800  }
0xac: {  	[sflag:s5] =	ssyncset.done $0x0  }
0xad: {  	[sflag:s5] =	ssyncadd.s32 $0xFFFFF800  }
0xae: {  	[bflag:$0x0] =	sbarrier.arrive $0xFFFF  }
0xaf: {  	[tilespmem:s16], [sflag:$0x2] =	stream.linear.gather [spmem:s12], $0x2000, $0x38;
	[tilespmem:$0x8B00] =	vst v63  }
0xb0: {  	_ =	swait.ge [sflag:s5], $0x2000  }
0xb1: {  	[sflag:s5] =	ssyncset.done $0x0  }
0xb2: {  	[sflag:s5] =	ssyncadd.s32 $0xFFFFE000  }
0xb3: {  	v32 =	vld.idx.msk [tilespmem:v0+s16+$0x0], $0xffff;
	_ =	sdelay $0x5  }
0xb4: {  	[tilespmem:$0x6900] =	vst v32  }
0xb5: {  	v32 =	vld.idx.msk [tilespmem:v1+s16+$0x0], $0xffff;
	_ =	sdelay $0x5  }
0xb6: {  	[tilespmem:$0x6910] =	vst v32  }
0xb7: {  	v32 =	vld.idx.msk [tilespmem:v2+s16+$0x0], $0xffff;
	_ =	sdelay $0x5  }
0xb8: {  	[tilespmem:$0x6920] =	vst v32  }
0xb9: {  	v32 =	vld.idx.msk [tilespmem:v3+s16+$0x0], $0xffff;
	_ =	sdelay $0x5  }
0xba: {  	[tilespmem:$0x6930] =	vst v32  }
0xbb: {  	v32 =	vld.idx.msk [tilespmem:v4+s16+$0x0], $0xffff;
	_ =	sdelay $0x5  }
0xbc: {  	[tilespmem:$0x6940] =	vst v32  }
0xbd: {  	v32 =	vld.idx.msk [tilespmem:v5+s16+$0x0], $0xffff;
	_ =	sdelay $0x5  }
0xbe: {  	[tilespmem:$0x6950] =	vst v32  }
0xbf: {  	v32 =	vld.idx.msk [tilespmem:v6+s16+$0x0], $0xffff;
	_ =	sdelay $0x5  }
0xc0: {  	[tilespmem:$0x6960] =	vst v32  }
0xc1: {  	v32 =	vld.idx.msk [tilespmem:v7+s16+$0x0], $0xffff;
	_ =	sdelay $0x5  }
0xc2: {  	[tilespmem:$0x6970] =	vst v32  }
0xc3: {  	v32 =	vld.idx.msk [tilespmem:v8+s16+$0x0], $0xffff;
	_ =	sdelay $0x5  }
0xc4: {  	[tilespmem:$0x6980] =	vst v32  }
0xc5: {  	v32 =	vld.idx.msk [tilespmem:v9+s16+$0x0], $0xffff;
	_ =	sdelay $0x5  }
0xc6: {  	[tilespmem:$0x6990] =	vst v32  }
0xc7: {  	v32 =	vld.idx.msk [tilespmem:v10+s16+$0x0], $0xffff;
	_ =	sdelay $0x5  }
0xc8: {  	[tilespmem:$0x69A0] =	vst v32  }
0xc9: {  	v32 =	vld.idx.msk [tilespmem:v11+s16+$0x0], $0xffff;
	_ =	sdelay $0x5  }
0xca: {  	[tilespmem:$0x69B0] =	vst v32  }
0xcb: {  	v32 =	vld.idx.msk [tilespmem:v12+s16+$0x0], $0xffff;
	_ =	sdelay $0x5  }
0xcc: {  	[tilespmem:$0x69C0] =	vst v32  }
0xcd: {  	v32 =	vld.idx.msk [tilespmem:v13+s16+$0x0], $0xffff;
	_ =	sdelay $0x5  }
0xce: {  	[tilespmem:$0x69D0] =	vst v32  }
0xcf: {  	v32 =	vld.idx.msk [tilespmem:v14+s16+$0x0], $0xffff;
	_ =	sdelay $0x5  }
0xd0: {  	[tilespmem:$0x69E0] =	vst v32  }
0xd1: {  	v32 =	vld.idx.msk [tilespmem:v15+s16+$0x0], $0xffff;
	_ =	sdelay $0x5  }
0xd2: {  	[tilespmem:$0x69F0] =	vst v32  }
0xd3: {  	v32 =	vld.idx.msk [tilespmem:v16+s16+$0x0], $0xffff;
	_ =	sdelay $0x5  }
0xd4: {  	[tilespmem:$0x6A00] =	vst v32  }
0xd5: {  	v32 =	vld.idx.msk [tilespmem:v17+s16+$0x0], $0xffff;
	_ =	sdelay $0x5  }
0xd6: {  	[tilespmem:$0x6A10] =	vst v32  }
0xd7: {  	v32 =	vld.idx.msk [tilespmem:v18+s16+$0x0], $0xffff;
	_ =	sdelay $0x5  }
0xd8: {  	[tilespmem:$0x6A20] =	vst v32  }
0xd9: {  	v32 =	vld.idx.msk [tilespmem:v19+s16+$0x0], $0xffff;
	_ =	sdelay $0x5  }
0xda: {  	[tilespmem:$0x6A30] =	vst v32  }
0xdb: {  	v32 =	vld.idx.msk [tilespmem:v20+s16+$0x0], $0xffff;
	_ =	sdelay $0x5  }
0xdc: {  	[tilespmem:$0x6A40] =	vst v32  }
0xdd: {  	v32 =	vld.idx.msk [tilespmem:v21+s16+$0x0], $0xffff;
	_ =	sdelay $0x5  }
0xde: {  	[tilespmem:$0x6A50] =	vst v32  }
0xdf: {  	v32 =	vld.idx.msk [tilespmem:v22+s16+$0x0], $0xffff;
	_ =	sdelay $0x5  }
0xe0: {  	[tilespmem:$0x6A60] =	vst v32  }
0xe1: {  	v32 =	vld.idx.msk [tilespmem:v23+s16+$0x0], $0xffff;
	_ =	sdelay $0x5  }
0xe2: {  	[tilespmem:$0x6A70] =	vst v32  }
0xe3: {  	v32 =	vld.idx.msk [tilespmem:v24+s16+$0x0], $0xffff;
	_ =	sdelay $0x5  }
0xe4: {  	[tilespmem:$0x6A80] =	vst v32  }
0xe5: {  	v32 =	vld.idx.msk [tilespmem:v25+s16+$0x0], $0xffff;
	_ =	sdelay $0x5  }
0xe6: {  	[tilespmem:$0x6A90] =	vst v32  }
0xe7: {  	v32 =	vld.idx.msk [tilespmem:v26+s16+$0x0], $0xffff;
	_ =	sdelay $0x5  }
0xe8: {  	[tilespmem:$0x6AA0] =	vst v32  }
0xe9: {  	v32 =	vld.idx.msk [tilespmem:v27+s16+$0x0], $0xffff;
	_ =	sdelay $0x5  }
0xea: {  	[tilespmem:$0x6AB0] =	vst v32  }
0xeb: {  	v32 =	vld.idx.msk [tilespmem:v28+s16+$0x0], $0xffff;
	_ =	sdelay $0x5  }
0xec: {  	[tilespmem:$0x6AC0] =	vst v32  }
0xed: {  	v32 =	vld.idx.msk [tilespmem:v29+s16+$0x0], $0xffff;
	_ =	sdelay $0x5  }
0xee: {  	[tilespmem:$0x6AD0] =	vst v32  }
0xef: {  	v32 =	vld.idx.msk [tilespmem:v30+s16+$0x0], $0xffff;
	_ =	sdelay $0x5  }
0xf0: {  	[tilespmem:$0x6AE0] =	vst v32  }
0xf1: {  	v32 =	vld.idx.msk [tilespmem:v31+s16+$0x0], $0xffff;
	_ =	sdelay $0x5  }
0xf2: {  	[tilespmem:$0x6AF0] =	vst v32  }
0xf3: {  	[hbm4b:s17+s4] =	stream.linear.scatter [tilespmem:s18], [sflag:$0x2], $0x200, $0x38;
	[tilespmem:$0x8B00] =	vst v63  }
0xf4: {  	_ =	swait.ge [sflag:s5], $0x200  }
0xf5: {  	[sflag:s5] =	ssyncset.done $0x0  }
0xf6: {  	[sflag:s5] =	ssyncadd.s32 $0xFFFFFE00  }
0xf7: {  	_ =	swait.ge [sflag:s19], $0x2000  }
0xf8: {  	[sflag:s19] =	ssyncset.done $0x0  }
0xf9: {  	[sflag:s19] =	ssyncadd.s32 $0xFFFFE000  }
0xfa: {  	_ =	swait.ge [sflag:s19], $0x2000  }
.Ltmp1:
0xfb: {  	[sflag:s19] =	ssyncset.done $0x0;
	(pc) =	sbr.rel @p0 .LBB2_1-.Ltmp1, $4  }
0xfc: {  	[sflag:s19] =	ssyncadd.s32 $0xFFFFE000  }
0xfd: {  	[hbm4b:s20+s4] =	stream.linear.scatter [tilespmem:s8], [sflag:$0x2], $0x4000, $0x38;
	[tilespmem:$0x8B00] =	vst v63  }
0xfe: {  	_ =	swait.ge [sflag:s5], $0x4000  }
0xff: {  	[sflag:s5] =	ssyncset.done $0x0  }
.LBB2_2:
0x100: {  	[sflag:s5] =	ssyncadd.s32 $0xFFFFC000  }
0x101: {  	_ =	sfence.sel $0x180000  }
0x102: {  	[bflag:$0x0] =	sbarrier.arrive $0xFFFF  }
0x103: {  	p0 =	sne.s32 s0, $0x0;
	_ =	strace $0x90000047  }
0x104: {  	s0 =	sadd.s32 @!p0 $0x100000, s1;
	[bflag:$0x2] =	sbarrier.arrive $0xFFFF  }
0x105: {  	[sflag:s0] =	ssyncadd.tile.s32 @!p0 $0x1;
	_ =	shalt  }
.Lfunc_end2:
_tile_overlayer_lowered:
.L_overlay_start_2:
0x106: {  	(tag) =	ssettag $0x2  }
0x107: {  	s0 =	rddreg [dreg:$0x0];
	s2 =	stileid.u32  }
0x108: {  	s1 =	rddreg [dreg:$0x1];
	p0 =	sne.s32 s2, $0x0  }
0x109: {  	s3 =	rddreg [dreg:$0x2];
	[bflag:$0x3] =	sbarrier.arrive $0xFFFF;
	s2 =	simm.s32 @!p0 $0x1C02  }
0x10a: {  	[timem:s3], [sflag:s2] =	dma.local @!p0 [hbm:s0], s1  }
0x10b: {  	s0 =	simm.s32 @!p0 $0x2  }
0x10c: {  	_ =	swait.ge @!p0 [sflag:s0], s1  }
0x10d: {  	s1 =	ssub.s32 @!p0 $0x0, s1;
	[sflag:s0] =	ssyncset.done @!p0 $0x0  }
0x10e: {  	[sflag:s0] =	ssyncadd.s32 @!p0 s1  }
0x10f: {  	[bflag:$0x3] =	sbarrier.arrive $0xFFFF  }
0x110: {  	_ =	shalt  }

</sc_bundles>
